<compile_context>
chip_gen: v7x
topology: tpu7x:2x2x1
jax: 0.10.2.dev20260603
libtpu: 0.0.44.dev20260713+nightly
codegen_flags: <defaults>
</compile_context>

<pallas_src>
import functools

import jax
import jax.numpy as jnp
from jax import lax
from jax.experimental import pallas as pl
from jax.experimental.pallas import tpu as pltpu
from jax.experimental.pallas import tpu_sc as plsc

S, H, I, E = 2048, 768, 3072, 64
C = 64
NCHUNK = S // C + E
P = NCHUNK * C
EPS = 1e-12
NW = 32
RTB = 256
DTB = 512



def _route_body(x_ref, wr_ref, pos_ref, startc_ref, nch_ref):
    x = x_ref[...]
    wr = wr_ref[...]
    logits = lax.dot_general(x, wr, (((1,), (1,)), ((), ())),
                             preferred_element_type=jnp.float32)
    row_max = jnp.max(logits, axis=1, keepdims=True)
    eiota = lax.broadcasted_iota(jnp.int32, (S, E), 1)
    eid = jnp.min(jnp.where(logits >= row_max, eiota, E), axis=1, keepdims=True)
    onehot = (eid == eiota).astype(jnp.float32)

    counts = jnp.sum(onehot, axis=0, keepdims=True)
    pc = jnp.ceil(counts * (1.0 / C)) * C
    ej = lax.broadcasted_iota(jnp.int32, (E, E), 0)
    ek = lax.broadcasted_iota(jnp.int32, (E, E), 1)
    strict_lt = (ej < ek).astype(jnp.float32)
    po = jnp.dot(pc, strict_lt, preferred_element_type=jnp.float32)

    tj = lax.broadcasted_iota(jnp.int32, (RTB, RTB), 0)
    tk = lax.broadcasted_iota(jnp.int32, (RTB, RTB), 1)
    tril = (tk < tj).astype(jnp.float32)
    running = jnp.zeros((1, E), jnp.float32)
    for b in range(S // RTB):
        oh = onehot[b * RTB:(b + 1) * RTB, :]
        prev = jnp.dot(tril, oh, preferred_element_type=jnp.float32) + running
        dest = jnp.sum((prev + po) * oh, axis=1, keepdims=True)
        pos_ref[b * RTB:(b + 1) * RTB, :] = dest.astype(jnp.int32)
        running = running + jnp.sum(oh, axis=0, keepdims=True)

    eyeE = (ej == ek).astype(jnp.float32)
    pc_col = lax.dot_general(eyeE, pc, (((1,), (1,)), ((), ())))
    po_col = jnp.dot((ek < ej).astype(jnp.float32), pc_col,
                     preferred_element_type=jnp.float32)
    startc_ref[...] = (po_col * (1.0 / C)).astype(jnp.int32)
    nch_ref[...] = (pc_col * (1.0 / C)).astype(jnp.int32)


def _routing(x, w_router):
    return pl.pallas_call(
        _route_body,
        out_shape=(jax.ShapeDtypeStruct((S, 1), jnp.int32),
                   jax.ShapeDtypeStruct((E, 1), jnp.int32),
                   jax.ShapeDtypeStruct((E, 1), jnp.int32)),
    )(x, w_router)



def _sc_wid():
    return lax.axis_index("s") * 2 + lax.axis_index("c")


def _scatter_tokens(x, pos):
    tpw = S // NW
    mesh = plsc.VectorSubcoreMesh(core_axis_name="c", subcore_axis_name="s")

    @functools.partial(
        pl.kernel, mesh=mesh,
        out_type=jax.ShapeDtypeStruct((P, H), jnp.float32),
        scratch_types=[pltpu.VMEM((tpw,), jnp.int32),
                       pltpu.VMEM((tpw, H), jnp.float32)],
    )
    def k(x_hbm, pos_hbm, out_hbm, idx_v, rows_v):
        base = _sc_wid() * tpw
        pltpu.sync_copy(pos_hbm.at[pl.ds(base, tpw)], idx_v)
        pltpu.sync_copy(x_hbm.at[pl.ds(base, tpw)], rows_v)
        pltpu.sync_copy(rows_v, out_hbm.at[idx_v])

    return k(x, pos)


def _gather_inter(up, pos):
    tpw = S // NW
    sub = 32
    mesh = plsc.VectorSubcoreMesh(core_axis_name="c", subcore_axis_name="s")

    @functools.partial(
        pl.kernel, mesh=mesh,
        out_type=jax.ShapeDtypeStruct((S, I), jnp.float32),
        scratch_types=[pltpu.VMEM((sub,), jnp.int32),
                       pltpu.VMEM((sub, I), jnp.float32)],
    )
    def k(up_hbm, pos_hbm, out_hbm, idx_v, rows_v):
        wbase = _sc_wid() * tpw
        for j in range(tpw // sub):
            base = wbase + j * sub
            pltpu.sync_copy(pos_hbm.at[pl.ds(base, sub)], idx_v)
            pltpu.sync_copy(up_hbm.at[idx_v], rows_v)
            pltpu.sync_copy(rows_v, out_hbm.at[pl.ds(base, sub)])

    return k(up, pos)



def _gelu_exact(h):
    return 0.5 * h * (1.0 + lax.erf(h * 0.7071067811865476))


def _up_body(sc_ref, nc_ref, xs_ref, wi_ref, bi_ref, out_hbm, stg0, stg1, sems):
    e = pl.program_id(0)
    start = sc_ref[e]
    n = nc_ref[e]

    def dma(k, stg, idx):
        return pltpu.make_async_copy(
            stg, out_hbm.at[pl.ds((start + k) * C, C), :], sems.at[idx])

    def compute(k, stg):
        row = (start + k) * C
        xb = xs_ref[pl.ds(row, C), :].astype(jnp.bfloat16)
        h = jnp.dot(xb, wi_ref[0].astype(jnp.bfloat16),
                    preferred_element_type=jnp.float32)
        stg[...] = _gelu_exact(h + bi_ref[0])

    def pair(k2, carry):
        k = k2 * 2

        @pl.when(k2 > 0)
        def _():
            dma(0, stg0, 0).wait()

        compute(k, stg0)
        dma(k, stg0, 0).start()

        @pl.when(k + 1 < n)
        def _():
            @pl.when(k2 > 0)
            def _():
                dma(0, stg1, 1).wait()

            compute(k + 1, stg1)
            dma(k + 1, stg1, 1).start()

        return carry

    lax.fori_loop(0, (n + 1) // 2, pair, 0)

    @pl.when(n > 0)
    def _():
        dma(0, stg0, 0).wait()

    @pl.when(n > 1)
    def _():
        dma(0, stg1, 1).wait()


def _up(startc, nch, x_sorted, wi, bi):
    grid_spec = pltpu.PrefetchScalarGridSpec(
        num_scalar_prefetch=2,
        grid=(E,),
        in_specs=[
            pl.BlockSpec((P, H), lambda e, sc, nc: (0, 0)),
            pl.BlockSpec((1, H, I), lambda e, sc, nc: (e, 0, 0)),
            pl.BlockSpec((1, 1, I), lambda e, sc, nc: (e, 0, 0)),
        ],
        out_specs=pl.BlockSpec(memory_space=pl.ANY),
        scratch_shapes=[
            pltpu.VMEM((C, I), jnp.float32),
            pltpu.VMEM((C, I), jnp.float32),
            pltpu.SemaphoreType.DMA((2,)),
        ],
    )
    return pl.pallas_call(
        _up_body, grid_spec=grid_spec,
        out_shape=jax.ShapeDtypeStruct((P, I), jnp.float32),
    )(startc, nch, x_sorted, wi, bi.reshape(E, 1, I))



def _down_body(inter_ref, wo_ref, bo_ref, x_ref, g_ref, b_ref, y_ref):
    o = jnp.dot(inter_ref[...].astype(jnp.bfloat16),
                wo_ref[...].astype(jnp.bfloat16),
                preferred_element_type=jnp.float32)
    t = o + bo_ref[...] + x_ref[...]
    mu = jnp.mean(t, axis=1, keepdims=True)
    cen = t - mu
    var = jnp.mean(cen * cen, axis=1, keepdims=True)
    y_ref[...] = cen * lax.rsqrt(var + EPS) * g_ref[...] + b_ref[...]


def _down(inter, wo, bo, x, ln_g, ln_b):
    return pl.pallas_call(
        _down_body,
        grid=(S // DTB,),
        in_specs=[
            pl.BlockSpec((DTB, I), lambda t: (t, 0)),
            pl.BlockSpec((I, H), lambda t: (0, 0)),
            pl.BlockSpec((1, H), lambda t: (0, 0)),
            pl.BlockSpec((DTB, H), lambda t: (t, 0)),
            pl.BlockSpec((1, H), lambda t: (0, 0)),
            pl.BlockSpec((1, H), lambda t: (0, 0)),
        ],
        out_specs=pl.BlockSpec((DTB, H), lambda t: (t, 0)),
        out_shape=jax.ShapeDtypeStruct((S, H), jnp.float32),
    )(inter, wo, bo, x, ln_g, ln_b)



def kernel(hidden_states, w_router, wi, bi, wo, bo, ln_g, ln_b):
    b, s, h = hidden_states.shape
    x = hidden_states.reshape(s, h)
    pos2, startc2, nch2 = _routing(x, w_router)
    pos = pos2.reshape(s)
    x_sorted = _scatter_tokens(x, pos)
    up = _up(startc2.reshape(E), nch2.reshape(E), x_sorted, wi, bi)
    inter = _gather_inter(up, pos)
    y = _down(inter, wo, bo.reshape(1, h), x, ln_g.reshape(1, h), ln_b.reshape(1, h))
    return y.reshape(b, s, h)

# --- scband reference (transcript-rebuilt; emitter-appended) ---
"""Pipeline reference for scband-mo-e-27848567947629 (READ-ONLY COPY).

The authoritative reference and input builder live on the scoring server;
editing this copy changes nothing except your own understanding.
"""

import jax, jax.numpy as jnp
import numpy as np

B, S, H, I, E = 1, 2048, 768, 3072, 64
EPS = 1e-12


def setup_inputs(seed: int = 0) -> dict:
    key = jax.random.key(seed)
    ks = jax.random.split(key, 6)
    hidden_states = jax.random.normal(ks[0], (B, S, H), dtype=jnp.float32)
    w_router = jax.random.normal(ks[1], (E, H), dtype=jnp.float32) * 0.02
    wi = jax.random.normal(ks[2], (E, H, I), dtype=jnp.float32) * 0.02
    bi = jnp.zeros((E, I), dtype=jnp.float32)
    wo = jax.random.normal(ks[3], (I, H), dtype=jnp.float32) * 0.02
    bo = jnp.zeros((H,), dtype=jnp.float32)
    ln_g = jnp.ones((H,), dtype=jnp.float32)
    ln_b = jnp.zeros((H,), dtype=jnp.float32)
    return {"hidden_states": hidden_states, "w_router": w_router, "wi": wi, "bi": bi, "wo": wo, "bo": bo, "ln_g": ln_g, "ln_b": ln_b}


def _layernorm(x, g, b):
    mu = jnp.mean(x, axis=-1, keepdims=True)
    var = jnp.mean((x - mu) ** 2, axis=-1, keepdims=True)
    return (x - mu) / jnp.sqrt(var + EPS) * g + b


def reference(hidden_states, w_router, wi, bi, wo, bo, ln_g, ln_b):
    b, s, h = hidden_states.shape
    x = hidden_states.reshape(-1, h)
    router_logits = x @ w_router.T
    router_probs = jax.nn.softmax(router_logits, axis=-1)
    topk_vals, topk_idx = jax.lax.top_k(router_probs, 1)
    topk_idx = topk_idx[:, 0]
    inter = jnp.zeros((x.shape[0], I), dtype=x.dtype)
    for e in range(E):
        out = jax.nn.gelu(x @ wi[e] + bi[e], approximate=False)
        mask = (topk_idx == e)[:, None]
        inter = jnp.where(mask, out, inter)
    inter3 = inter.reshape(b, s, I)
    o = inter3 @ wo + bo
    y = _layernorm(o + hidden_states, ln_g, ln_b)
    return y

if __name__ == "__main__":
    import jax
    _d = setup_inputs()
    print(jax.jit(kernel)(*tuple(_d.values())))

</pallas_src>

<mosaic_0001>
#map = affine_map<(d0, d1) -> (0, 0)>
#map1 = affine_map<(d0, d1) -> (0)>
module attributes {stable_mosaic.version = 14 : i64} {
  func.func @k(%arg0: i32, %arg1: i32, %arg2: memref<2048x768xf32, #tpu.memory_space<hbm>>, %arg3: memref<2048xi32, #tpu.memory_space<hbm>>, %arg4: memref<6144x768xf32, #tpu.memory_space<hbm>>, %arg5: memref<64xi32, #tpu.memory_space<vmem>>, %arg6: memref<64x768xf32, #tpu.memory_space<vmem>>) attributes {dimension_semantics = [#tpu.dimension_semantics<core_parallel>, #tpu.dimension_semantics<subcore_parallel>], iteration_bounds = array<i64: 2, 16>, scalar_prefetch = 0 : i64, scratch_operands = 2 : i64, tpu.core_type = #tpu.core_type<sc_vector_subcore>, window_params = [{transform_indices = #map}, {transform_indices = #map1}, {transform_indices = #map}]} {
    %mul3A = arith.constant 2 : i32
    %mul3A_0 = arith.muli %arg1, %mul3A : i32
    %add3A = arith.addi %mul3A_0, %arg0 : i32
    %mul3A_1 = arith.constant 64 : i32
    %mul3A_2 = arith.muli %add3A, %mul3A_1 : i32
    "tpu.region"() ({
      %run_scoped3A = tpu.sem_alloc : memref<!tpu.dma_semaphore, #tpu.memory_space<semaphore_mem>>
      %dma_start3A = tpu.memref_slice %arg3[%mul3A_2] : memref<2048xi32, #tpu.memory_space<hbm>> -> memref<64xi32, #tpu.memory_space<hbm>>
      %dma_start3A_3 = tpu.memref_slice %arg3[%mul3A_2] : memref<2048xi32, #tpu.memory_space<hbm>> -> memref<64xi32, #tpu.memory_space<hbm>>
      tpu.enqueue_dma source(%dma_start3A_3 : memref<64xi32, #tpu.memory_space<hbm>>) target(%arg5 : memref<64xi32, #tpu.memory_space<vmem>>) target_semaphore(%run_scoped3A : memref<!tpu.dma_semaphore, #tpu.memory_space<semaphore_mem>>)
      %dma_wait3A = tpu.memref_slice %arg3[%mul3A_2] : memref<2048xi32, #tpu.memory_space<hbm>> -> memref<64xi32, #tpu.memory_space<hbm>>
      %dma_wait3A_4 = tpu.memref_slice %arg3[%mul3A_2] : memref<2048xi32, #tpu.memory_space<hbm>> -> memref<64xi32, #tpu.memory_space<hbm>>
      tpu.wait_dma2 semaphore(%run_scoped3A : memref<!tpu.dma_semaphore, #tpu.memory_space<semaphore_mem>>) src(%dma_wait3A_4 : memref<64xi32, #tpu.memory_space<hbm>>) dst(%arg5 : memref<64xi32, #tpu.memory_space<vmem>>)
      tpu.yield
    }) : () -> ()
    "tpu.region"() ({
      %run_scoped3A = tpu.sem_alloc : memref<!tpu.dma_semaphore, #tpu.memory_space<semaphore_mem>>
      %dma_start3A = arith.constant 0 : i32
      %dma_start3A_3 = tpu.memref_slice %arg2[%mul3A_2, %dma_start3A] : memref<2048x768xf32, #tpu.memory_space<hbm>> -> memref<64x768xf32, #tpu.memory_space<hbm>>
      %dma_start3A_4 = arith.constant 0 : i32
      %dma_start3A_5 = tpu.memref_slice %arg2[%mul3A_2, %dma_start3A_4] : memref<2048x768xf32, #tpu.memory_space<hbm>> -> memref<64x768xf32, #tpu.memory_space<hbm>>
      tpu.enqueue_dma source(%dma_start3A_5 : memref<64x768xf32, #tpu.memory_space<hbm>>) target(%arg6 : memref<64x768xf32, #tpu.memory_space<vmem>>) target_semaphore(%run_scoped3A : memref<!tpu.dma_semaphore, #tpu.memory_space<semaphore_mem>>)
      %dma_wait3A = arith.constant 0 : i32
      %dma_wait3A_6 = tpu.memref_slice %arg2[%mul3A_2, %dma_wait3A] : memref<2048x768xf32, #tpu.memory_space<hbm>> -> memref<64x768xf32, #tpu.memory_space<hbm>>
      %dma_wait3A_7 = arith.constant 0 : i32
      %dma_wait3A_8 = tpu.memref_slice %arg2[%mul3A_2, %dma_wait3A_7] : memref<2048x768xf32, #tpu.memory_space<hbm>> -> memref<64x768xf32, #tpu.memory_space<hbm>>
      tpu.wait_dma2 semaphore(%run_scoped3A : memref<!tpu.dma_semaphore, #tpu.memory_space<semaphore_mem>>) src(%dma_wait3A_8 : memref<64x768xf32, #tpu.memory_space<hbm>>) dst(%arg6 : memref<64x768xf32, #tpu.memory_space<vmem>>)
      tpu.yield
    }) : () -> ()
    "tpu.region"() ({
      %run_scoped3A = tpu.sem_alloc : memref<!tpu.dma_semaphore, #tpu.memory_space<semaphore_mem>>
      %dma_start3A = arith.constant 0 : i32
      %dma_start3A_3 = arith.constant 0 : i32
      %dma_start3A_4 = tpu.memref_slice %arg4[%dma_start3A, %dma_start3A_3] : memref<6144x768xf32, #tpu.memory_space<hbm>> -> memref<6144x768xf32, #tpu.memory_space<hbm>>
      tpu.enqueue_indirect_dma source(%arg6 : memref<64x768xf32, #tpu.memory_space<vmem>>) target(%dma_start3A_4 : memref<6144x768xf32, #tpu.memory_space<hbm>>) offsets(%arg5 : memref<64xi32, #tpu.memory_space<vmem>>) semaphore(%run_scoped3A : memref<!tpu.dma_semaphore, #tpu.memory_space<semaphore_mem>>)
      %dma_wait3A = arith.constant 0 : i32
      %dma_wait3A_5 = arith.constant 0 : i32
      %dma_wait3A_6 = tpu.memref_slice %arg4[%dma_wait3A, %dma_wait3A_5] : memref<6144x768xf32, #tpu.memory_space<hbm>> -> memref<6144x768xf32, #tpu.memory_space<hbm>>
      tpu.wait_indirect_dma semaphore(%run_scoped3A : memref<!tpu.dma_semaphore, #tpu.memory_space<semaphore_mem>>) src(%arg6 : memref<64x768xf32, #tpu.memory_space<vmem>>) dst(%dma_wait3A_6 : memref<6144x768xf32, #tpu.memory_space<hbm>>)
      tpu.yield
    }) : () -> ()
    return
  }
}

#map = affine_map<(d0, d1) -> (0, 0)>
#map1 = affine_map<(d0, d1) -> (0)>
module attributes {stable_mosaic.version = 14 : i64} {
  func.func @k(%arg0: i32, %arg1: i32, %arg2: memref<6144x3072xf32, #tpu.memory_space<hbm>>, %arg3: memref<2048xi32, #tpu.memory_space<hbm>>, %arg4: memref<2048x3072xf32, #tpu.memory_space<hbm>>, %arg5: memref<32xi32, #tpu.memory_space<vmem>>, %arg6: memref<32x3072xf32, #tpu.memory_space<vmem>>) attributes {dimension_semantics = [#tpu.dimension_semantics<core_parallel>, #tpu.dimension_semantics<subcore_parallel>], iteration_bounds = array<i64: 2, 16>, scalar_prefetch = 0 : i64, scratch_operands = 2 : i64, tpu.core_type = #tpu.core_type<sc_vector_subcore>, window_params = [{transform_indices = #map}, {transform_indices = #map1}, {transform_indices = #map}]} {
    %mul3A = arith.constant 2 : i32
    %mul3A_0 = arith.muli %arg1, %mul3A : i32
    %add3A = arith.addi %mul3A_0, %arg0 : i32
    %mul3A_1 = arith.constant 64 : i32
    %mul3A_2 = arith.muli %add3A, %mul3A_1 : i32
    %add3A_3 = arith.constant 0 : i32
    %add3A_4 = arith.addi %mul3A_2, %add3A_3 : i32
    "tpu.region"() ({
      %run_scoped3A = tpu.sem_alloc : memref<!tpu.dma_semaphore, #tpu.memory_space<semaphore_mem>>
      %dma_start3A = tpu.memref_slice %arg3[%add3A_4] : memref<2048xi32, #tpu.memory_space<hbm>> -> memref<32xi32, #tpu.memory_space<hbm>>
      %dma_start3A_7 = tpu.memref_slice %arg3[%add3A_4] : memref<2048xi32, #tpu.memory_space<hbm>> -> memref<32xi32, #tpu.memory_space<hbm>>
      tpu.enqueue_dma source(%dma_start3A_7 : memref<32xi32, #tpu.memory_space<hbm>>) target(%arg5 : memref<32xi32, #tpu.memory_space<vmem>>) target_semaphore(%run_scoped3A : memref<!tpu.dma_semaphore, #tpu.memory_space<semaphore_mem>>)
      %dma_wait3A = tpu.memref_slice %arg3[%add3A_4] : memref<2048xi32, #tpu.memory_space<hbm>> -> memref<32xi32, #tpu.memory_space<hbm>>
      %dma_wait3A_8 = tpu.memref_slice %arg3[%add3A_4] : memref<2048xi32, #tpu.memory_space<hbm>> -> memref<32xi32, #tpu.memory_space<hbm>>
      tpu.wait_dma2 semaphore(%run_scoped3A : memref<!tpu.dma_semaphore, #tpu.memory_space<semaphore_mem>>) src(%dma_wait3A_8 : memref<32xi32, #tpu.memory_space<hbm>>) dst(%arg5 : memref<32xi32, #tpu.memory_space<vmem>>)
      tpu.yield
    }) : () -> ()
    "tpu.region"() ({
      %run_scoped3A = tpu.sem_alloc : memref<!tpu.dma_semaphore, #tpu.memory_space<semaphore_mem>>
      %dma_start3A = arith.constant 0 : i32
      %dma_start3A_7 = arith.constant 0 : i32
      %dma_start3A_8 = tpu.memref_slice %arg2[%dma_start3A, %dma_start3A_7] : memref<6144x3072xf32, #tpu.memory_space<hbm>> -> memref<6144x3072xf32, #tpu.memory_space<hbm>>
      tpu.enqueue_indirect_dma source(%dma_start3A_8 : memref<6144x3072xf32, #tpu.memory_space<hbm>>) target(%arg6 : memref<32x3072xf32, #tpu.memory_space<vmem>>) offsets(%arg5 : memref<32xi32, #tpu.memory_space<vmem>>) semaphore(%run_scoped3A : memref<!tpu.dma_semaphore, #tpu.memory_space<semaphore_mem>>)
      %dma_wait3A = arith.constant 0 : i32
      %dma_wait3A_9 = arith.constant 0 : i32
      %dma_wait3A_10 = tpu.memref_slice %arg2[%dma_wait3A, %dma_wait3A_9] : memref<6144x3072xf32, #tpu.memory_space<hbm>> -> memref<6144x3072xf32, #tpu.memory_space<hbm>>
      tpu.wait_indirect_dma semaphore(%run_scoped3A : memref<!tpu.dma_semaphore, #tpu.memory_space<semaphore_mem>>) src(%dma_wait3A_10 : memref<6144x3072xf32, #tpu.memory_space<hbm>>) dst(%arg6 : memref<32x3072xf32, #tpu.memory_space<vmem>>)
      tpu.yield
    }) : () -> ()
    "tpu.region"() ({
      %run_scoped3A = tpu.sem_alloc : memref<!tpu.dma_semaphore, #tpu.memory_space<semaphore_mem>>
      %dma_start3A = arith.constant 0 : i32
      %dma_start3A_7 = tpu.memref_slice %arg4[%add3A_4, %dma_start3A] : memref<2048x3072xf32, #tpu.memory_space<hbm>> -> memref<32x3072xf32, #tpu.memory_space<hbm>>
      %dma_start3A_8 = arith.constant 0 : i32
      %dma_start3A_9 = tpu.memref_slice %arg4[%add3A_4, %dma_start3A_8] : memref<2048x3072xf32, #tpu.memory_space<hbm>> -> memref<32x3072xf32, #tpu.memory_space<hbm>>
      tpu.enqueue_dma source(%arg6 : memref<32x3072xf32, #tpu.memory_space<vmem>>) target(%dma_start3A_9 : memref<32x3072xf32, #tpu.memory_space<hbm>>) target_semaphore(%run_scoped3A : memref<!tpu.dma_semaphore, #tpu.memory_space<semaphore_mem>>)
      %dma_wait3A = arith.constant 0 : i32
      %dma_wait3A_10 = tpu.memref_slice %arg4[%add3A_4, %dma_wait3A] : memref<2048x3072xf32, #tpu.memory_space<hbm>> -> memref<32x3072xf32, #tpu.memory_space<hbm>>
      %dma_wait3A_11 = arith.constant 0 : i32
      %dma_wait3A_12 = tpu.memref_slice %arg4[%add3A_4, %dma_wait3A_11] : memref<2048x3072xf32, #tpu.memory_space<hbm>> -> memref<32x3072xf32, #tpu.memory_space<hbm>>
      tpu.wait_dma2 semaphore(%run_scoped3A : memref<!tpu.dma_semaphore, #tpu.memory_space<semaphore_mem>>) src(%arg6 : memref<32x3072xf32, #tpu.memory_space<vmem>>) dst(%dma_wait3A_12 : memref<32x3072xf32, #tpu.memory_space<hbm>>)
      tpu.yield
    }) : () -> ()
    %add3A_5 = arith.constant 32 : i32
    %add3A_6 = arith.addi %mul3A_2, %add3A_5 : i32
    "tpu.region"() ({
      %run_scoped3A = tpu.sem_alloc : memref<!tpu.dma_semaphore, #tpu.memory_space<semaphore_mem>>
      %dma_start3A = tpu.memref_slice %arg3[%add3A_6] : memref<2048xi32, #tpu.memory_space<hbm>> -> memref<32xi32, #tpu.memory_space<hbm>>
      %dma_start3A_7 = tpu.memref_slice %arg3[%add3A_6] : memref<2048xi32, #tpu.memory_space<hbm>> -> memref<32xi32, #tpu.memory_space<hbm>>
      tpu.enqueue_dma source(%dma_start3A_7 : memref<32xi32, #tpu.memory_space<hbm>>) target(%arg5 : memref<32xi32, #tpu.memory_space<vmem>>) target_semaphore(%run_scoped3A : memref<!tpu.dma_semaphore, #tpu.memory_space<semaphore_mem>>)
      %dma_wait3A = tpu.memref_slice %arg3[%add3A_6] : memref<2048xi32, #tpu.memory_space<hbm>> -> memref<32xi32, #tpu.memory_space<hbm>>
      %dma_wait3A_8 = tpu.memref_slice %arg3[%add3A_6] : memref<2048xi32, #tpu.memory_space<hbm>> -> memref<32xi32, #tpu.memory_space<hbm>>
      tpu.wait_dma2 semaphore(%run_scoped3A : memref<!tpu.dma_semaphore, #tpu.memory_space<semaphore_mem>>) src(%dma_wait3A_8 : memref<32xi32, #tpu.memory_space<hbm>>) dst(%arg5 : memref<32xi32, #tpu.memory_space<vmem>>)
      tpu.yield
    }) : () -> ()
    "tpu.region"() ({
      %run_scoped3A = tpu.sem_alloc : memref<!tpu.dma_semaphore, #tpu.memory_space<semaphore_mem>>
      %dma_start3A = arith.constant 0 : i32
      %dma_start3A_7 = arith.constant 0 : i32
      %dma_start3A_8 = tpu.memref_slice %arg2[%dma_start3A, %dma_start3A_7] : memref<6144x3072xf32, #tpu.memory_space<hbm>> -> memref<6144x3072xf32, #tpu.memory_space<hbm>>
      tpu.enqueue_indirect_dma source(%dma_start3A_8 : memref<6144x3072xf32, #tpu.memory_space<hbm>>) target(%arg6 : memref<32x3072xf32, #tpu.memory_space<vmem>>) offsets(%arg5 : memref<32xi32, #tpu.memory_space<vmem>>) semaphore(%run_scoped3A : memref<!tpu.dma_semaphore, #tpu.memory_space<semaphore_mem>>)
      %dma_wait3A = arith.constant 0 : i32
      %dma_wait3A_9 = arith.constant 0 : i32
      %dma_wait3A_10 = tpu.memref_slice %arg2[%dma_wait3A, %dma_wait3A_9] : memref<6144x3072xf32, #tpu.memory_space<hbm>> -> memref<6144x3072xf32, #tpu.memory_space<hbm>>
      tpu.wait_indirect_dma semaphore(%run_scoped3A : memref<!tpu.dma_semaphore, #tpu.memory_space<semaphore_mem>>) src(%dma_wait3A_10 : memref<6144x3072xf32, #tpu.memory_space<hbm>>) dst(%arg6 : memref<32x3072xf32, #tpu.memory_space<vmem>>)
      tpu.yield
    }) : () -> ()
    "tpu.region"() ({
      %run_scoped3A = tpu.sem_alloc : memref<!tpu.dma_semaphore, #tpu.memory_space<semaphore_mem>>
      %dma_start3A = arith.constant 0 : i32
      %dma_start3A_7 = tpu.memref_slice %arg4[%add3A_6, %dma_start3A] : memref<2048x3072xf32, #tpu.memory_space<hbm>> -> memref<32x3072xf32, #tpu.memory_space<hbm>>
      %dma_start3A_8 = arith.constant 0 : i32
      %dma_start3A_9 = tpu.memref_slice %arg4[%add3A_6, %dma_start3A_8] : memref<2048x3072xf32, #tpu.memory_space<hbm>> -> memref<32x3072xf32, #tpu.memory_space<hbm>>
      tpu.enqueue_dma source(%arg6 : memref<32x3072xf32, #tpu.memory_space<vmem>>) target(%dma_start3A_9 : memref<32x3072xf32, #tpu.memory_space<hbm>>) target_semaphore(%run_scoped3A : memref<!tpu.dma_semaphore, #tpu.memory_space<semaphore_mem>>)
      %dma_wait3A = arith.constant 0 : i32
      %dma_wait3A_10 = tpu.memref_slice %arg4[%add3A_6, %dma_wait3A] : memref<2048x3072xf32, #tpu.memory_space<hbm>> -> memref<32x3072xf32, #tpu.memory_space<hbm>>
      %dma_wait3A_11 = arith.constant 0 : i32
      %dma_wait3A_12 = tpu.memref_slice %arg4[%add3A_6, %dma_wait3A_11] : memref<2048x3072xf32, #tpu.memory_space<hbm>> -> memref<32x3072xf32, #tpu.memory_space<hbm>>
      tpu.wait_dma2 semaphore(%run_scoped3A : memref<!tpu.dma_semaphore, #tpu.memory_space<semaphore_mem>>) src(%arg6 : memref<32x3072xf32, #tpu.memory_space<vmem>>) dst(%dma_wait3A_12 : memref<32x3072xf32, #tpu.memory_space<hbm>>)
      tpu.yield
    }) : () -> ()
    return
  }
}

module attributes {stable_mosaic.version = 14 : i64} {
  func.func @_route_body(%arg0: memref<2048x768xf32, #tpu.memory_space<vmem>>, %arg1: memref<64x768xf32, #tpu.memory_space<vmem>>, %arg2: memref<2048x1xi32, #tpu.memory_space<vmem>>, %arg3: memref<64x1xi32, #tpu.memory_space<vmem>>, %arg4: memref<64x1xi32, #tpu.memory_space<vmem>>) attributes {dimension_semantics = [], scalar_prefetch = 0 : i64, scratch_operands = 0 : i64, tpu.core_type = #tpu.core_type<tc>} {
    %get3A = arith.constant 0 : index
    %get3A_0 = arith.constant 0 : index
    %get3A_1 = vector.load %arg0[%get3A, %get3A_0] : memref<2048x768xf32, #tpu.memory_space<vmem>>, vector<2048x768xf32>
    %get3A_2 = arith.constant 0 : index
    %get3A_3 = arith.constant 0 : index
    %get3A_4 = vector.load %arg1[%get3A_2, %get3A_3] : memref<64x768xf32, #tpu.memory_space<vmem>>, vector<64x768xf32>
    %dot_general3A = arith.constant dense<0.000000e+00> : vector<2048x64xf32>
    %dot_general3A_5 = tpu.matmul %get3A_1, %get3A_4, %dot_general3A {dimension_numbers = #tpu.dot_dimension_numbers<[1], [1], [0], [0], [0, 0, 1, 0], [], []>, transpose_lhs_hint = false} : vector<2048x768xf32>, vector<64x768xf32>, vector<2048x64xf32> -> vector<2048x64xf32>
    %reduce_max3A = arith.constant dense<0xFF800000> : vector<2048xf32>
    %reduce_max3A_6 = vector.multi_reduction <maximumf>, %dot_general3A_5, %reduce_max3A [1] : vector<2048x64xf32> to vector<2048xf32>
    %broadcast_in_dim3A = vector.shape_cast %reduce_max3A_6 : vector<2048xf32> to vector<2048x1xf32>
    %iota3A = tpu.iota {dimensions = array<i32: 1>} : vector<2048x64xi32>
    %ge3A = vector.broadcast %broadcast_in_dim3A : vector<2048x1xf32> to vector<2048x64xf32>
    %ge3A_7 = arith.cmpf oge, %dot_general3A_5, %ge3A : vector<2048x64xf32>
    %jit3A = arith.constant 64 : i32
    %broadcast_in_dim3A_8 = vector.broadcast %jit3A : i32 to vector<2048x64xi32>
    %select_n3A = arith.select %ge3A_7, %iota3A, %broadcast_in_dim3A_8 : vector<2048x64xi1>, vector<2048x64xi32>
    %reduce_min3A = arith.constant dense<2147483647> : vector<2048xi32>
    %reduce_min3A_9 = vector.multi_reduction <minsi>, %select_n3A, %reduce_min3A [1] : vector<2048x64xi32> to vector<2048xi32>
    %broadcast_in_dim3A_10 = vector.shape_cast %reduce_min3A_9 : vector<2048xi32> to vector<2048x1xi32>
    %eq3A = vector.broadcast %broadcast_in_dim3A_10 : vector<2048x1xi32> to vector<2048x64xi32>
    %eq3A_11 = arith.cmpi eq, %eq3A, %iota3A : vector<2048x64xi32>
    %convert_element_type3A = arith.extui %eq3A_11 : vector<2048x64xi1> to vector<2048x64xi32>
    %convert_element_type3A_12 = arith.sitofp %convert_element_type3A : vector<2048x64xi32> to vector<2048x64xf32>
    %reduce_sum3A = arith.constant dense<0.000000e+00> : vector<64xf32>
    %reduce_sum3A_13 = vector.multi_reduction <add>, %convert_element_type3A_12, %reduce_sum3A [0] : vector<2048x64xf32> to vector<64xf32>
    %broadcast_in_dim3A_14 = vector.shape_cast %reduce_sum3A_13 : vector<64xf32> to vector<1x64xf32>
    %mul3A = arith.constant 1.562500e-02 : f32
    %mul3A_15 = vector.broadcast %mul3A : f32 to vector<1x64xf32>
    %mul3A_16 = arith.mulf %broadcast_in_dim3A_14, %mul3A_15 : vector<1x64xf32>
    %ceil3A = math.ceil %mul3A_16 : vector<1x64xf32>
    %mul3A_17 = arith.constant 6.400000e+01 : f32
    %mul3A_18 = vector.broadcast %mul3A_17 : f32 to vector<1x64xf32>
    %mul3A_19 = arith.mulf %ceil3A, %mul3A_18 : vector<1x64xf32>
    %iota3A_20 = tpu.iota {dimensions = array<i32: 0>} : vector<64x64xi32>
    %iota3A_21 = tpu.iota {dimensions = array<i32: 1>} : vector<64x64xi32>
    %lt3A = arith.cmpi slt, %iota3A_20, %iota3A_21 : vector<64x64xi32>
    %convert_element_type3A_22 = arith.extui %lt3A : vector<64x64xi1> to vector<64x64xi32>
    %convert_element_type3A_23 = arith.sitofp %convert_element_type3A_22 : vector<64x64xi32> to vector<64x64xf32>
    %dot_general3A_24 = arith.constant dense<0.000000e+00> : vector<1x64xf32>
    %dot_general3A_25 = tpu.matmul %mul3A_19, %convert_element_type3A_23, %dot_general3A_24 {dimension_numbers = #tpu.dot_dimension_numbers<[1], [0], [0], [1], [0, 0, 1, 1], [], []>, transpose_lhs_hint = false} : vector<1x64xf32>, vector<64x64xf32>, vector<1x64xf32> -> vector<1x64xf32>
    %iota3A_26 = tpu.iota {dimensions = array<i32: 0>} : vector<256x256xi32>
    %iota3A_27 = tpu.iota {dimensions = array<i32: 1>} : vector<256x256xi32>
    %lt3A_28 = arith.cmpi slt, %iota3A_27, %iota3A_26 : vector<256x256xi32>
    %convert_element_type3A_29 = arith.extui %lt3A_28 : vector<256x256xi1> to vector<256x256xi32>
    %convert_element_type3A_30 = arith.sitofp %convert_element_type3A_29 : vector<256x256xi32> to vector<256x256xf32>
    %broadcast_in_dim3A_31 = arith.constant 0.000000e+00 : f32
    %broadcast_in_dim3A_32 = vector.broadcast %broadcast_in_dim3A_31 : f32 to vector<1x64xf32>
    %slice3A = vector.extract_strided_slice %convert_element_type3A_12 {offsets = [0, 0], sizes = [256, 64], strides = [1, 1]} : vector<2048x64xf32> to vector<256x64xf32>
    %dot_general3A_33 = arith.constant dense<0.000000e+00> : vector<256x64xf32>
    %dot_general3A_34 = tpu.matmul %convert_element_type3A_30, %slice3A, %dot_general3A_33 {dimension_numbers = #tpu.dot_dimension_numbers<[1], [0], [0], [1], [0, 0, 1, 1], [], []>, transpose_lhs_hint = false} : vector<256x256xf32>, vector<256x64xf32>, vector<256x64xf32> -> vector<256x64xf32>
    %add3A = vector.broadcast %broadcast_in_dim3A_32 : vector<1x64xf32> to vector<256x64xf32>
    %add3A_35 = arith.addf %dot_general3A_34, %add3A : vector<256x64xf32>
    %add3A_36 = vector.broadcast %dot_general3A_25 : vector<1x64xf32> to vector<256x64xf32>
    %add3A_37 = arith.addf %add3A_35, %add3A_36 : vector<256x64xf32>
    %mul3A_38 = arith.mulf %add3A_37, %slice3A : vector<256x64xf32>
    %reduce_sum3A_39 = arith.constant dense<0.000000e+00> : vector<256xf32>
    %reduce_sum3A_40 = vector.multi_reduction <add>, %mul3A_38, %reduce_sum3A_39 [1] : vector<256x64xf32> to vector<256xf32>
    %broadcast_in_dim3A_41 = vector.shape_cast %reduce_sum3A_40 : vector<256xf32> to vector<256x1xf32>
    %convert_element_type3A_42 = arith.fptosi %broadcast_in_dim3A_41 : vector<256x1xf32> to vector<256x1xi32>
    %swap3A = arith.constant 0 : index
    %swap3A_43 = arith.constant 0 : index
    %swap3A_44 = vector.load %arg2[%swap3A, %swap3A_43] : memref<2048x1xi32, #tpu.memory_space<vmem>>, vector<256x1xi32>
    tpu.vector_store %arg2[%swap3A, %swap3A_43], %convert_element_type3A_42 {strides = array<i32>} : memref<2048x1xi32, #tpu.memory_space<vmem>>, vector<256x1xi32>,
    %reduce_sum3A_45 = arith.constant dense<0.000000e+00> : vector<64xf32>
    %reduce_sum3A_46 = vector.multi_reduction <add>, %slice3A, %reduce_sum3A_45 [0] : vector<256x64xf32> to vector<64xf32>
    %broadcast_in_dim3A_47 = vector.shape_cast %reduce_sum3A_46 : vector<64xf32> to vector<1x64xf32>
    %add3A_48 = arith.addf %broadcast_in_dim3A_32, %broadcast_in_dim3A_47 : vector<1x64xf32>
    %slice3A_49 = vector.extract_strided_slice %convert_element_type3A_12 {offsets = [256, 0], sizes = [256, 64], strides = [1, 1]} : vector<2048x64xf32> to vector<256x64xf32>
    %dot_general3A_50 = arith.constant dense<0.000000e+00> : vector<256x64xf32>
    %dot_general3A_51 = tpu.matmul %convert_element_type3A_30, %slice3A_49, %dot_general3A_50 {dimension_numbers = #tpu.dot_dimension_numbers<[1], [0], [0], [1], [0, 0, 1, 1], [], []>, transpose_lhs_hint = false} : vector<256x256xf32>, vector<256x64xf32>, vector<256x64xf32> -> vector<256x64xf32>
    %add3A_52 = vector.broadcast %add3A_48 : vector<1x64xf32> to vector<256x64xf32>
    %add3A_53 = arith.addf %dot_general3A_51, %add3A_52 : vector<256x64xf32>
    %add3A_54 = vector.broadcast %dot_general3A_25 : vector<1x64xf32> to vector<256x64xf32>
    %add3A_55 = arith.addf %add3A_53, %add3A_54 : vector<256x64xf32>
    %mul3A_56 = arith.mulf %add3A_55, %slice3A_49 : vector<256x64xf32>
    %reduce_sum3A_57 = arith.constant dense<0.000000e+00> : vector<256xf32>
    %reduce_sum3A_58 = vector.multi_reduction <add>, %mul3A_56, %reduce_sum3A_57 [1] : vector<256x64xf32> to vector<256xf32>
    %broadcast_in_dim3A_59 = vector.shape_cast %reduce_sum3A_58 : vector<256xf32> to vector<256x1xf32>
    %convert_element_type3A_60 = arith.fptosi %broadcast_in_dim3A_59 : vector<256x1xf32> to vector<256x1xi32>
    %swap3A_61 = arith.constant 256 : index
    %swap3A_62 = arith.constant 0 : index
    %swap3A_63 = vector.load %arg2[%swap3A_61, %swap3A_62] : memref<2048x1xi32, #tpu.memory_space<vmem>>, vector<256x1xi32>
    tpu.vector_store %arg2[%swap3A_61, %swap3A_62], %convert_element_type3A_60 {strides = array<i32>} : memref<2048x1xi32, #tpu.memory_space<vmem>>, vector<256x1xi32>,
    %reduce_sum3A_64 = arith.constant dense<0.000000e+00> : vector<64xf32>
    %reduce_sum3A_65 = vector.multi_reduction <add>, %slice3A_49, %reduce_sum3A_64 [0] : vector<256x64xf32> to vector<64xf32>
    %broadcast_in_dim3A_66 = vector.shape_cast %reduce_sum3A_65 : vector<64xf32> to vector<1x64xf32>
    %add3A_67 = arith.addf %add3A_48, %broadcast_in_dim3A_66 : vector<1x64xf32>
    %slice3A_68 = vector.extract_strided_slice %convert_element_type3A_12 {offsets = [512, 0], sizes = [256, 64], strides = [1, 1]} : vector<2048x64xf32> to vector<256x64xf32>
    %dot_general3A_69 = arith.constant dense<0.000000e+00> : vector<256x64xf32>
    %dot_general3A_70 = tpu.matmul %convert_element_type3A_30, %slice3A_68, %dot_general3A_69 {dimension_numbers = #tpu.dot_dimension_numbers<[1], [0], [0], [1], [0, 0, 1, 1], [], []>, transpose_lhs_hint = false} : vector<256x256xf32>, vector<256x64xf32>, vector<256x64xf32> -> vector<256x64xf32>
    %add3A_71 = vector.broadcast %add3A_67 : vector<1x64xf32> to vector<256x64xf32>
    %add3A_72 = arith.addf %dot_general3A_70, %add3A_71 : vector<256x64xf32>
    %add3A_73 = vector.broadcast %dot_general3A_25 : vector<1x64xf32> to vector<256x64xf32>
    %add3A_74 = arith.addf %add3A_72, %add3A_73 : vector<256x64xf32>
    %mul3A_75 = arith.mulf %add3A_74, %slice3A_68 : vector<256x64xf32>
    %reduce_sum3A_76 = arith.constant dense<0.000000e+00> : vector<256xf32>
    %reduce_sum3A_77 = vector.multi_reduction <add>, %mul3A_75, %reduce_sum3A_76 [1] : vector<256x64xf32> to vector<256xf32>
    %broadcast_in_dim3A_78 = vector.shape_cast %reduce_sum3A_77 : vector<256xf32> to vector<256x1xf32>
    %convert_element_type3A_79 = arith.fptosi %broadcast_in_dim3A_78 : vector<256x1xf32> to vector<256x1xi32>
    %swap3A_80 = arith.constant 512 : index
    %swap3A_81 = arith.constant 0 : index
    %swap3A_82 = vector.load %arg2[%swap3A_80, %swap3A_81] : memref<2048x1xi32, #tpu.memory_space<vmem>>, vector<256x1xi32>
    tpu.vector_store %arg2[%swap3A_80, %swap3A_81], %convert_element_type3A_79 {strides = array<i32>} : memref<2048x1xi32, #tpu.memory_space<vmem>>, vector<256x1xi32>,
    %reduce_sum3A_83 = arith.constant dense<0.000000e+00> : vector<64xf32>
    %reduce_sum3A_84 = vector.multi_reduction <add>, %slice3A_68, %reduce_sum3A_83 [0] : vector<256x64xf32> to vector<64xf32>
    %broadcast_in_dim3A_85 = vector.shape_cast %reduce_sum3A_84 : vector<64xf32> to vector<1x64xf32>
    %add3A_86 = arith.addf %add3A_67, %broadcast_in_dim3A_85 : vector<1x64xf32>
    %slice3A_87 = vector.extract_strided_slice %convert_element_type3A_12 {offsets = [768, 0], sizes = [256, 64], strides = [1, 1]} : vector<2048x64xf32> to vector<256x64xf32>
    %dot_general3A_88 = arith.constant dense<0.000000e+00> : vector<256x64xf32>
    %dot_general3A_89 = tpu.matmul %convert_element_type3A_30, %slice3A_87, %dot_general3A_88 {dimension_numbers = #tpu.dot_dimension_numbers<[1], [0], [0], [1], [0, 0, 1, 1], [], []>, transpose_lhs_hint = false} : vector<256x256xf32>, vector<256x64xf32>, vector<256x64xf32> -> vector<256x64xf32>
    %add3A_90 = vector.broadcast %add3A_86 : vector<1x64xf32> to vector<256x64xf32>
    %add3A_91 = arith.addf %dot_general3A_89, %add3A_90 : vector<256x64xf32>
    %add3A_92 = vector.broadcast %dot_general3A_25 : vector<1x64xf32> to vector<256x64xf32>
    %add3A_93 = arith.addf %add3A_91, %add3A_92 : vector<256x64xf32>
    %mul3A_94 = arith.mulf %add3A_93, %slice3A_87 : vector<256x64xf32>
    %reduce_sum3A_95 = arith.constant dense<0.000000e+00> : vector<256xf32>
    %reduce_sum3A_96 = vector.multi_reduction <add>, %mul3A_94, %reduce_sum3A_95 [1] : vector<256x64xf32> to vector<256xf32>
    %broadcast_in_dim3A_97 = vector.shape_cast %reduce_sum3A_96 : vector<256xf32> to vector<256x1xf32>
    %convert_element_type3A_98 = arith.fptosi %broadcast_in_dim3A_97 : vector<256x1xf32> to vector<256x1xi32>
    %swap3A_99 = arith.constant 768 : index
    %swap3A_100 = arith.constant 0 : index
    %swap3A_101 = vector.load %arg2[%swap3A_99, %swap3A_100] : memref<2048x1xi32, #tpu.memory_space<vmem>>, vector<256x1xi32>
    tpu.vector_store %arg2[%swap3A_99, %swap3A_100], %convert_element_type3A_98 {strides = array<i32>} : memref<2048x1xi32, #tpu.memory_space<vmem>>, vector<256x1xi32>,
    %reduce_sum3A_102 = arith.constant dense<0.000000e+00> : vector<64xf32>
    %reduce_sum3A_103 = vector.multi_reduction <add>, %slice3A_87, %reduce_sum3A_102 [0] : vector<256x64xf32> to vector<64xf32>
    %broadcast_in_dim3A_104 = vector.shape_cast %reduce_sum3A_103 : vector<64xf32> to vector<1x64xf32>
    %add3A_105 = arith.addf %add3A_86, %broadcast_in_dim3A_104 : vector<1x64xf32>
    %slice3A_106 = vector.extract_strided_slice %convert_element_type3A_12 {offsets = [1024, 0], sizes = [256, 64], strides = [1, 1]} : vector<2048x64xf32> to vector<256x64xf32>
    %dot_general3A_107 = arith.constant dense<0.000000e+00> : vector<256x64xf32>
    %dot_general3A_108 = tpu.matmul %convert_element_type3A_30, %slice3A_106, %dot_general3A_107 {dimension_numbers = #tpu.dot_dimension_numbers<[1], [0], [0], [1], [0, 0, 1, 1], [], []>, transpose_lhs_hint = false} : vector<256x256xf32>, vector<256x64xf32>, vector<256x64xf32> -> vector<256x64xf32>
    %add3A_109 = vector.broadcast %add3A_105 : vector<1x64xf32> to vector<256x64xf32>
    %add3A_110 = arith.addf %dot_general3A_108, %add3A_109 : vector<256x64xf32>
    %add3A_111 = vector.broadcast %dot_general3A_25 : vector<1x64xf32> to vector<256x64xf32>
    %add3A_112 = arith.addf %add3A_110, %add3A_111 : vector<256x64xf32>
    %mul3A_113 = arith.mulf %add3A_112, %slice3A_106 : vector<256x64xf32>
    %reduce_sum3A_114 = arith.constant dense<0.000000e+00> : vector<256xf32>
    %reduce_sum3A_115 = vector.multi_reduction <add>, %mul3A_113, %reduce_sum3A_114 [1] : vector<256x64xf32> to vector<256xf32>
    %broadcast_in_dim3A_116 = vector.shape_cast %reduce_sum3A_115 : vector<256xf32> to vector<256x1xf32>
    %convert_element_type3A_117 = arith.fptosi %broadcast_in_dim3A_116 : vector<256x1xf32> to vector<256x1xi32>
    %swap3A_118 = arith.constant 1024 : index
    %swap3A_119 = arith.constant 0 : index
    %swap3A_120 = vector.load %arg2[%swap3A_118, %swap3A_119] : memref<2048x1xi32, #tpu.memory_space<vmem>>, vector<256x1xi32>
    tpu.vector_store %arg2[%swap3A_118, %swap3A_119], %convert_element_type3A_117 {strides = array<i32>} : memref<2048x1xi32, #tpu.memory_space<vmem>>, vector<256x1xi32>,
    %reduce_sum3A_121 = arith.constant dense<0.000000e+00> : vector<64xf32>
    %reduce_sum3A_122 = vector.multi_reduction <add>, %slice3A_106, %reduce_sum3A_121 [0] : vector<256x64xf32> to vector<64xf32>
    %broadcast_in_dim3A_123 = vector.shape_cast %reduce_sum3A_122 : vector<64xf32> to vector<1x64xf32>
    %add3A_124 = arith.addf %add3A_105, %broadcast_in_dim3A_123 : vector<1x64xf32>
    %slice3A_125 = vector.extract_strided_slice %convert_element_type3A_12 {offsets = [1280, 0], sizes = [256, 64], strides = [1, 1]} : vector<2048x64xf32> to vector<256x64xf32>
    %dot_general3A_126 = arith.constant dense<0.000000e+00> : vector<256x64xf32>
    %dot_general3A_127 = tpu.matmul %convert_element_type3A_30, %slice3A_125, %dot_general3A_126 {dimension_numbers = #tpu.dot_dimension_numbers<[1], [0], [0], [1], [0, 0, 1, 1], [], []>, transpose_lhs_hint = false} : vector<256x256xf32>, vector<256x64xf32>, vector<256x64xf32> -> vector<256x64xf32>
    %add3A_128 = vector.broadcast %add3A_124 : vector<1x64xf32> to vector<256x64xf32>
    %add3A_129 = arith.addf %dot_general3A_127, %add3A_128 : vector<256x64xf32>
    %add3A_130 = vector.broadcast %dot_general3A_25 : vector<1x64xf32> to vector<256x64xf32>
    %add3A_131 = arith.addf %add3A_129, %add3A_130 : vector<256x64xf32>
    %mul3A_132 = arith.mulf %add3A_131, %slice3A_125 : vector<256x64xf32>
    %reduce_sum3A_133 = arith.constant dense<0.000000e+00> : vector<256xf32>
    %reduce_sum3A_134 = vector.multi_reduction <add>, %mul3A_132, %reduce_sum3A_133 [1] : vector<256x64xf32> to vector<256xf32>
    %broadcast_in_dim3A_135 = vector.shape_cast %reduce_sum3A_134 : vector<256xf32> to vector<256x1xf32>
    %convert_element_type3A_136 = arith.fptosi %broadcast_in_dim3A_135 : vector<256x1xf32> to vector<256x1xi32>
    %swap3A_137 = arith.constant 1280 : index
    %swap3A_138 = arith.constant 0 : index
    %swap3A_139 = vector.load %arg2[%swap3A_137, %swap3A_138] : memref<2048x1xi32, #tpu.memory_space<vmem>>, vector<256x1xi32>
    tpu.vector_store %arg2[%swap3A_137, %swap3A_138], %convert_element_type3A_136 {strides = array<i32>} : memref<2048x1xi32, #tpu.memory_space<vmem>>, vector<256x1xi32>,
    %reduce_sum3A_140 = arith.constant dense<0.000000e+00> : vector<64xf32>
    %reduce_sum3A_141 = vector.multi_reduction <add>, %slice3A_125, %reduce_sum3A_140 [0] : vector<256x64xf32> to vector<64xf32>
    %broadcast_in_dim3A_142 = vector.shape_cast %reduce_sum3A_141 : vector<64xf32> to vector<1x64xf32>
    %add3A_143 = arith.addf %add3A_124, %broadcast_in_dim3A_142 : vector<1x64xf32>
    %slice3A_144 = vector.extract_strided_slice %convert_element_type3A_12 {offsets = [1536, 0], sizes = [256, 64], strides = [1, 1]} : vector<2048x64xf32> to vector<256x64xf32>
    %dot_general3A_145 = arith.constant dense<0.000000e+00> : vector<256x64xf32>
    %dot_general3A_146 = tpu.matmul %convert_element_type3A_30, %slice3A_144, %dot_general3A_145 {dimension_numbers = #tpu.dot_dimension_numbers<[1], [0], [0], [1], [0, 0, 1, 1], [], []>, transpose_lhs_hint = false} : vector<256x256xf32>, vector<256x64xf32>, vector<256x64xf32> -> vector<256x64xf32>
    %add3A_147 = vector.broadcast %add3A_143 : vector<1x64xf32> to vector<256x64xf32>
    %add3A_148 = arith.addf %dot_general3A_146, %add3A_147 : vector<256x64xf32>
    %add3A_149 = vector.broadcast %dot_general3A_25 : vector<1x64xf32> to vector<256x64xf32>
    %add3A_150 = arith.addf %add3A_148, %add3A_149 : vector<256x64xf32>
    %mul3A_151 = arith.mulf %add3A_150, %slice3A_144 : vector<256x64xf32>
    %reduce_sum3A_152 = arith.constant dense<0.000000e+00> : vector<256xf32>
    %reduce_sum3A_153 = vector.multi_reduction <add>, %mul3A_151, %reduce_sum3A_152 [1] : vector<256x64xf32> to vector<256xf32>
    %broadcast_in_dim3A_154 = vector.shape_cast %reduce_sum3A_153 : vector<256xf32> to vector<256x1xf32>
    %convert_element_type3A_155 = arith.fptosi %broadcast_in_dim3A_154 : vector<256x1xf32> to vector<256x1xi32>
    %swap3A_156 = arith.constant 1536 : index
    %swap3A_157 = arith.constant 0 : index
    %swap3A_158 = vector.load %arg2[%swap3A_156, %swap3A_157] : memref<2048x1xi32, #tpu.memory_space<vmem>>, vector<256x1xi32>
    tpu.vector_store %arg2[%swap3A_156, %swap3A_157], %convert_element_type3A_155 {strides = array<i32>} : memref<2048x1xi32, #tpu.memory_space<vmem>>, vector<256x1xi32>,
    %reduce_sum3A_159 = arith.constant dense<0.000000e+00> : vector<64xf32>
    %reduce_sum3A_160 = vector.multi_reduction <add>, %slice3A_144, %reduce_sum3A_159 [0] : vector<256x64xf32> to vector<64xf32>
    %broadcast_in_dim3A_161 = vector.shape_cast %reduce_sum3A_160 : vector<64xf32> to vector<1x64xf32>
    %add3A_162 = arith.addf %add3A_143, %broadcast_in_dim3A_161 : vector<1x64xf32>
    %slice3A_163 = vector.extract_strided_slice %convert_element_type3A_12 {offsets = [1792, 0], sizes = [256, 64], strides = [1, 1]} : vector<2048x64xf32> to vector<256x64xf32>
    %dot_general3A_164 = arith.constant dense<0.000000e+00> : vector<256x64xf32>
    %dot_general3A_165 = tpu.matmul %convert_element_type3A_30, %slice3A_163, %dot_general3A_164 {dimension_numbers = #tpu.dot_dimension_numbers<[1], [0], [0], [1], [0, 0, 1, 1], [], []>, transpose_lhs_hint = false} : vector<256x256xf32>, vector<256x64xf32>, vector<256x64xf32> -> vector<256x64xf32>
    %add3A_166 = vector.broadcast %add3A_162 : vector<1x64xf32> to vector<256x64xf32>
    %add3A_167 = arith.addf %dot_general3A_165, %add3A_166 : vector<256x64xf32>
    %add3A_168 = vector.broadcast %dot_general3A_25 : vector<1x64xf32> to vector<256x64xf32>
    %add3A_169 = arith.addf %add3A_167, %add3A_168 : vector<256x64xf32>
    %mul3A_170 = arith.mulf %add3A_169, %slice3A_163 : vector<256x64xf32>
    %reduce_sum3A_171 = arith.constant dense<0.000000e+00> : vector<256xf32>
    %reduce_sum3A_172 = vector.multi_reduction <add>, %mul3A_170, %reduce_sum3A_171 [1] : vector<256x64xf32> to vector<256xf32>
    %broadcast_in_dim3A_173 = vector.shape_cast %reduce_sum3A_172 : vector<256xf32> to vector<256x1xf32>
    %convert_element_type3A_174 = arith.fptosi %broadcast_in_dim3A_173 : vector<256x1xf32> to vector<256x1xi32>
    %swap3A_175 = arith.constant 1792 : index
    %swap3A_176 = arith.constant 0 : index
    %swap3A_177 = vector.load %arg2[%swap3A_175, %swap3A_176] : memref<2048x1xi32, #tpu.memory_space<vmem>>, vector<256x1xi32>
    tpu.vector_store %arg2[%swap3A_175, %swap3A_176], %convert_element_type3A_174 {strides = array<i32>} : memref<2048x1xi32, #tpu.memory_space<vmem>>, vector<256x1xi32>,
    %eq3A_178 = arith.cmpi eq, %iota3A_20, %iota3A_21 : vector<64x64xi32>
    %convert_element_type3A_179 = arith.extui %eq3A_178 : vector<64x64xi1> to vector<64x64xi32>
    %convert_element_type3A_180 = arith.sitofp %convert_element_type3A_179 : vector<64x64xi32> to vector<64x64xf32>
    %dot_general3A_181 = arith.constant dense<0.000000e+00> : vector<64x1xf32>
    %dot_general3A_182 = tpu.matmul %convert_element_type3A_180, %mul3A_19, %dot_general3A_181 {dimension_numbers = #tpu.dot_dimension_numbers<[1], [1], [0], [0], [0, 0, 1, 0], [], []>, transpose_lhs_hint = false} : vector<64x64xf32>, vector<1x64xf32>, vector<64x1xf32> -> vector<64x1xf32>
    %lt3A_183 = arith.cmpi slt, %iota3A_21, %iota3A_20 : vector<64x64xi32>
    %convert_element_type3A_184 = arith.extui %lt3A_183 : vector<64x64xi1> to vector<64x64xi32>
    %convert_element_type3A_185 = arith.sitofp %convert_element_type3A_184 : vector<64x64xi32> to vector<64x64xf32>
    %dot_general3A_186 = arith.constant dense<0.000000e+00> : vector<64x1xf32>
    %dot_general3A_187 = tpu.matmul %convert_element_type3A_185, %dot_general3A_182, %dot_general3A_186 {dimension_numbers = #tpu.dot_dimension_numbers<[1], [0], [0], [1], [0, 0, 1, 1], [], []>, transpose_lhs_hint = false} : vector<64x64xf32>, vector<64x1xf32>, vector<64x1xf32> -> vector<64x1xf32>
    %mul3A_188 = arith.constant 1.562500e-02 : f32
    %mul3A_189 = vector.broadcast %mul3A_188 : f32 to vector<64x1xf32>
    %mul3A_190 = arith.mulf %dot_general3A_187, %mul3A_189 : vector<64x1xf32>
    %convert_element_type3A_191 = arith.fptosi %mul3A_190 : vector<64x1xf32> to vector<64x1xi32>
    %swap3A_192 = arith.constant 0 : index
    %swap3A_193 = arith.constant 0 : index
    %swap3A_194 = vector.load %arg3[%swap3A_192, %swap3A_193] : memref<64x1xi32, #tpu.memory_space<vmem>>, vector<64x1xi32>
    tpu.vector_store %arg3[%swap3A_192, %swap3A_193], %convert_element_type3A_191 {strides = array<i32>} : memref<64x1xi32, #tpu.memory_space<vmem>>, vector<64x1xi32>,
    %mul3A_195 = arith.constant 1.562500e-02 : f32
    %mul3A_196 = vector.broadcast %mul3A_195 : f32 to vector<64x1xf32>
    %mul3A_197 = arith.mulf %dot_general3A_182, %mul3A_196 : vector<64x1xf32>
    %convert_element_type3A_198 = arith.fptosi %mul3A_197 : vector<64x1xf32> to vector<64x1xi32>
    %swap3A_199 = arith.constant 0 : index
    %swap3A_200 = arith.constant 0 : index
    %swap3A_201 = vector.load %arg4[%swap3A_199, %swap3A_200] : memref<64x1xi32, #tpu.memory_space<vmem>>, vector<64x1xi32>
    tpu.vector_store %arg4[%swap3A_199, %swap3A_200], %convert_element_type3A_198 {strides = array<i32>} : memref<64x1xi32, #tpu.memory_space<vmem>>, vector<64x1xi32>,
    return
  }
}

module attributes {stable_mosaic.version = 14 : i64} {
  func.func @_up_body(%arg0: i32, %arg1: memref<64xi32, #tpu.memory_space<smem>>, %arg2: memref<64xi32, #tpu.memory_space<smem>>, %arg3: memref<6144x768xf32, #tpu.memory_space<vmem>>, %arg4: memref<1x768x3072xf32, #tpu.memory_space<vmem>>, %arg5: memref<1x1x3072xf32, #tpu.memory_space<vmem>>, %arg6: memref<6144x3072xf32, #tpu.memory_space<any>>, %arg7: memref<64x3072xf32, #tpu.memory_space<vmem>>, %arg8: memref<64x3072xf32, #tpu.memory_space<vmem>>, %arg9: memref<2x!tpu.dma_semaphore, #tpu.memory_space<semaphore_mem>>) attributes {dimension_semantics = [#tpu.dimension_semantics<arbitrary>], iteration_bounds = array<i64: 64>, scalar_prefetch = 2 : i64, scratch_operands = 3 : i64, tpu.core_type = #tpu.core_type<tc>, window_params = [{pipeline_mode = #tpu.pipeline_mode<synchronous>, transform_indices = @transform_0, window_bounds = array<i64: 6144, 768>}, {transform_indices = @transform_1, window_bounds = array<i64: 1, 768, 3072>}, {transform_indices = @transform_2, window_bounds = array<i64: 1, 1, 3072>}, {}]} {
    %get3A = arith.index_cast %arg0 : i32 to index
    %get3A_0 = memref.load %arg1[%get3A] : memref<64xi32, #tpu.memory_space<smem>>
    %get3A_1 = arith.index_cast %arg0 : i32 to index
    %get3A_2 = memref.load %arg2[%get3A_1] : memref<64xi32, #tpu.memory_space<smem>>
    %add3A = arith.constant 1 : i32
    %add3A_3 = arith.addi %get3A_2, %add3A : i32
    %jit3A = arith.constant 2 : i32
    %div3A = arith.divsi %add3A_3, %jit3A : i32
    %sign3A = arith.constant 0 : i32
    %sign3A_4 = arith.cmpi sgt, %add3A_3, %sign3A : i32
    %sign3A_5 = arith.extui %sign3A_4 : i1 to i32
    %sign3A_6 = arith.constant 0 : i32
    %sign3A_7 = arith.cmpi slt, %add3A_3, %sign3A_6 : i32
    %sign3A_8 = arith.extui %sign3A_7 : i1 to i32
    %sign3A_9 = arith.subi %sign3A_5, %sign3A_8 : i32
    %sign3A_10 = arith.constant 0 : i32
    %sign3A_11 = arith.cmpi sgt, %jit3A, %sign3A_10 : i32
    %sign3A_12 = arith.extui %sign3A_11 : i1 to i32
    %sign3A_13 = arith.constant 0 : i32
    %sign3A_14 = arith.cmpi slt, %jit3A, %sign3A_13 : i32
    %sign3A_15 = arith.extui %sign3A_14 : i1 to i32
    %sign3A_16 = arith.subi %sign3A_12, %sign3A_15 : i32
    %ne3A = arith.cmpi ne, %sign3A_9, %sign3A_16 : i32
    %rem3A = arith.remsi %add3A_3, %jit3A : i32
    %ne3A_17 = arith.constant 0 : i32
    %ne3A_18 = arith.cmpi ne, %rem3A, %ne3A_17 : i32
    %and3A = arith.andi %ne3A, %ne3A_18 : i1
    %sub3A = arith.constant 1 : i32
    %sub3A_19 = arith.subi %div3A, %sub3A : i32
    %select_n3A = arith.select %and3A, %sub3A_19, %div3A : i32
    %while3A = arith.constant 0 : i32
    %while3A_20 = arith.constant 0 : i32
    %while3A_21 = arith.subi %select_n3A, %while3A_20 : i32
    %while3A_22 = arith.addi %while3A_20, %while3A_21 : i32
    %while3A_23 = arith.constant 1 : i32
    %while3A_24 = arith.divsi %while3A_21, %while3A_23 : i32
    %while3A_25 = arith.muli %while3A_24, %while3A_23 : i32
    %while3A_26 = arith.addi %while3A_20, %while3A_25 : i32
    %while3A_27 = arith.constant 1 : i32
    scf.for %while3A_36 = %while3A_20 to %while3A_26 step %while3A_27  : i32 {
      %mul3A = arith.constant 2 : i32
      %mul3A_37 = arith.muli %while3A_36, %mul3A : i32
      %gt3A_38 = arith.constant 0 : i32
      %gt3A_39 = arith.cmpi sgt, %while3A_36, %gt3A_38 : i32
      %convert_element_type3A_40 = arith.extui %gt3A_39 : i1 to i32
      %cond3A_41 = arith.constant 0 : i32
      %cond3A_42 = arith.cmpi ne, %convert_element_type3A_40, %cond3A_41 : i32
      scf.if %cond3A_42 {
        %add3A_88 = arith.constant 0 : i32
        %add3A_89 = arith.addi %get3A_0, %add3A_88 : i32
        %mul3A_90 = arith.constant 64 : i32
        %mul3A_91 = arith.muli %add3A_89, %mul3A_90 : i32
        %dma_wait3A = arith.constant 0 : i32
        %dma_wait3A_92 = tpu.memref_slice %arg9[%dma_wait3A] : memref<2x!tpu.dma_semaphore, #tpu.memory_space<semaphore_mem>> -> memref<1x!tpu.dma_semaphore, #tpu.memory_space<semaphore_mem>>
        %dma_wait3A_93 = tpu.memref_squeeze %dma_wait3A_92 : memref<1x!tpu.dma_semaphore, #tpu.memory_space<semaphore_mem>> -> memref<!tpu.dma_semaphore, #tpu.memory_space<semaphore_mem>>
        %dma_wait3A_94 = arith.constant 0 : i32
        %dma_wait3A_95 = tpu.memref_slice %arg6[%mul3A_91, %dma_wait3A_94] : memref<6144x3072xf32, #tpu.memory_space<any>> -> memref<64x3072xf32, #tpu.memory_space<any>>
        tpu.wait_dma2 semaphore(%dma_wait3A_93 : memref<!tpu.dma_semaphore, #tpu.memory_space<semaphore_mem>>) src(%arg7 : memref<64x3072xf32, #tpu.memory_space<vmem>>) dst(%dma_wait3A_95 : memref<64x3072xf32, #tpu.memory_space<any>>)
      } else {
      }
      %add3A_43 = arith.addi %get3A_0, %mul3A_37 : i32
      %mul3A_44 = arith.constant 64 : i32
      %mul3A_45 = arith.muli %add3A_43, %mul3A_44 : i32
      %get3A_46 = arith.index_cast %mul3A_45 : i32 to index
      %get3A_47 = arith.constant 0 : index
      %get3A_48 = vector.load %arg3[%get3A_46, %get3A_47] : memref<6144x768xf32, #tpu.memory_space<vmem>>, vector<64x768xf32>
      %convert_element_type3A_49 = arith.truncf %get3A_48 : vector<64x768xf32> to vector<64x768xbf16>
      %get3A_50 = arith.constant 0 : index
      %get3A_51 = arith.constant 0 : index
      %get3A_52 = arith.constant 0 : index
      %get3A_53 = vector.load %arg4[%get3A_50, %get3A_51, %get3A_52] : memref<1x768x3072xf32, #tpu.memory_space<vmem>>, vector<1x768x3072xf32>
      %get3A_54 = vector.shape_cast %get3A_53 : vector<1x768x3072xf32> to vector<768x3072xf32>
      %convert_element_type3A_55 = arith.truncf %get3A_54 : vector<768x3072xf32> to vector<768x3072xbf16>
      %dot_general3A = arith.constant dense<0.000000e+00> : vector<64x3072xf32>
      %dot_general3A_56 = tpu.matmul %convert_element_type3A_49, %convert_element_type3A_55, %dot_general3A {dimension_numbers = #tpu.dot_dimension_numbers<[1], [0], [0], [1], [0, 0, 1, 1], [], []>, transpose_lhs_hint = false} : vector<64x768xbf16>, vector<768x3072xbf16>, vector<64x3072xf32> -> vector<64x3072xf32>
      %get3A_57 = arith.constant 0 : index
      %get3A_58 = arith.constant 0 : index
      %get3A_59 = arith.constant 0 : index
      %get3A_60 = vector.load %arg5[%get3A_57, %get3A_58, %get3A_59] : memref<1x1x3072xf32, #tpu.memory_space<vmem>>, vector<1x1x3072xf32>
      %get3A_61 = vector.shape_cast %get3A_60 : vector<1x1x3072xf32> to vector<1x3072xf32>
      %add3A_62 = vector.broadcast %get3A_61 : vector<1x3072xf32> to vector<64x3072xf32>
      %add3A_63 = arith.addf %dot_general3A_56, %add3A_62 : vector<64x3072xf32>
      %mul3A_64 = arith.constant 5.000000e-01 : f32
      %mul3A_65 = vector.broadcast %mul3A_64 : f32 to vector<64x3072xf32>
      %mul3A_66 = arith.mulf %mul3A_65, %add3A_63 : vector<64x3072xf32>
      %mul3A_67 = arith.constant 0.707106769 : f32
      %mul3A_68 = vector.broadcast %mul3A_67 : f32 to vector<64x3072xf32>
      %mul3A_69 = arith.mulf %add3A_63, %mul3A_68 : vector<64x3072xf32>
      %erf3A = math.erf %mul3A_69 : vector<64x3072xf32>
      %add3A_70 = arith.constant 1.000000e+00 : f32
      %add3A_71 = vector.broadcast %add3A_70 : f32 to vector<64x3072xf32>
      %add3A_72 = arith.addf %add3A_71, %erf3A : vector<64x3072xf32>
      %mul3A_73 = arith.mulf %mul3A_66, %add3A_72 : vector<64x3072xf32>
      %swap3A = arith.constant 0 : index
      %swap3A_74 = arith.constant 0 : index
      %swap3A_75 = vector.load %arg7[%swap3A, %swap3A_74] : memref<64x3072xf32, #tpu.memory_space<vmem>>, vector<64x3072xf32>
      tpu.vector_store %arg7[%swap3A, %swap3A_74], %mul3A_73 {strides = array<i32>} : memref<64x3072xf32, #tpu.memory_space<vmem>>, vector<64x3072xf32>,
      %add3A_76 = arith.addi %get3A_0, %mul3A_37 : i32
      %mul3A_77 = arith.constant 64 : i32
      %mul3A_78 = arith.muli %add3A_76, %mul3A_77 : i32
      %dma_start3A = arith.constant 0 : i32
      %dma_start3A_79 = tpu.memref_slice %arg9[%dma_start3A] : memref<2x!tpu.dma_semaphore, #tpu.memory_space<semaphore_mem>> -> memref<1x!tpu.dma_semaphore, #tpu.memory_space<semaphore_mem>>
      %dma_start3A_80 = tpu.memref_squeeze %dma_start3A_79 : memref<1x!tpu.dma_semaphore, #tpu.memory_space<semaphore_mem>> -> memref<!tpu.dma_semaphore, #tpu.memory_space<semaphore_mem>>
      %dma_start3A_81 = arith.constant 0 : i32
      %dma_start3A_82 = tpu.memref_slice %arg6[%mul3A_78, %dma_start3A_81] : memref<6144x3072xf32, #tpu.memory_space<any>> -> memref<64x3072xf32, #tpu.memory_space<any>>
      tpu.enqueue_dma source(%arg7 : memref<64x3072xf32, #tpu.memory_space<vmem>>) target(%dma_start3A_82 : memref<64x3072xf32, #tpu.memory_space<any>>) target_semaphore(%dma_start3A_80 : memref<!tpu.dma_semaphore, #tpu.memory_space<semaphore_mem>>)
      %add3A_83 = arith.constant 1 : i32
      %add3A_84 = arith.addi %mul3A_37, %add3A_83 : i32
      %lt3A = arith.cmpi slt, %add3A_84, %get3A_2 : i32
      %convert_element_type3A_85 = arith.extui %lt3A : i1 to i32
      %cond3A_86 = arith.constant 0 : i32
      %cond3A_87 = arith.cmpi ne, %convert_element_type3A_85, %cond3A_86 : i32
      scf.if %cond3A_87 {
        %gt3A_88 = arith.constant 0 : i32
        %gt3A_89 = arith.cmpi sgt, %while3A_36, %gt3A_88 : i32
        %convert_element_type3A_90 = arith.extui %gt3A_89 : i1 to i32
        %cond3A_91 = arith.constant 0 : i32
        %cond3A_92 = arith.cmpi ne, %convert_element_type3A_90, %cond3A_91 : i32
        scf.if %cond3A_92 {
          %add3A_141 = arith.constant 0 : i32
          %add3A_142 = arith.addi %get3A_0, %add3A_141 : i32
          %mul3A_143 = arith.constant 64 : i32
          %mul3A_144 = arith.muli %add3A_142, %mul3A_143 : i32
          %dma_wait3A = arith.constant 1 : i32
          %dma_wait3A_145 = tpu.memref_slice %arg9[%dma_wait3A] : memref<2x!tpu.dma_semaphore, #tpu.memory_space<semaphore_mem>> -> memref<1x!tpu.dma_semaphore, #tpu.memory_space<semaphore_mem>>
          %dma_wait3A_146 = tpu.memref_squeeze %dma_wait3A_145 : memref<1x!tpu.dma_semaphore, #tpu.memory_space<semaphore_mem>> -> memref<!tpu.dma_semaphore, #tpu.memory_space<semaphore_mem>>
          %dma_wait3A_147 = arith.constant 0 : i32
          %dma_wait3A_148 = tpu.memref_slice %arg6[%mul3A_144, %dma_wait3A_147] : memref<6144x3072xf32, #tpu.memory_space<any>> -> memref<64x3072xf32, #tpu.memory_space<any>>
          tpu.wait_dma2 semaphore(%dma_wait3A_146 : memref<!tpu.dma_semaphore, #tpu.memory_space<semaphore_mem>>) src(%arg8 : memref<64x3072xf32, #tpu.memory_space<vmem>>) dst(%dma_wait3A_148 : memref<64x3072xf32, #tpu.memory_space<any>>)
        } else {
        }
        %add3A_93 = arith.constant 1 : i32
        %add3A_94 = arith.addi %mul3A_37, %add3A_93 : i32
        %add3A_95 = arith.addi %get3A_0, %add3A_94 : i32
        %mul3A_96 = arith.constant 64 : i32
        %mul3A_97 = arith.muli %add3A_95, %mul3A_96 : i32
        %get3A_98 = arith.index_cast %mul3A_97 : i32 to index
        %get3A_99 = arith.constant 0 : index
        %get3A_100 = vector.load %arg3[%get3A_98, %get3A_99] : memref<6144x768xf32, #tpu.memory_space<vmem>>, vector<64x768xf32>
        %convert_element_type3A_101 = arith.truncf %get3A_100 : vector<64x768xf32> to vector<64x768xbf16>
        %get3A_102 = arith.constant 0 : index
        %get3A_103 = arith.constant 0 : index
        %get3A_104 = arith.constant 0 : index
        %get3A_105 = vector.load %arg4[%get3A_102, %get3A_103, %get3A_104] : memref<1x768x3072xf32, #tpu.memory_space<vmem>>, vector<1x768x3072xf32>
        %get3A_106 = vector.shape_cast %get3A_105 : vector<1x768x3072xf32> to vector<768x3072xf32>
        %convert_element_type3A_107 = arith.truncf %get3A_106 : vector<768x3072xf32> to vector<768x3072xbf16>
        %dot_general3A_108 = arith.constant dense<0.000000e+00> : vector<64x3072xf32>
        %dot_general3A_109 = tpu.matmul %convert_element_type3A_101, %convert_element_type3A_107, %dot_general3A_108 {dimension_numbers = #tpu.dot_dimension_numbers<[1], [0], [0], [1], [0, 0, 1, 1], [], []>, transpose_lhs_hint = false} : vector<64x768xbf16>, vector<768x3072xbf16>, vector<64x3072xf32> -> vector<64x3072xf32>
        %get3A_110 = arith.constant 0 : index
        %get3A_111 = arith.constant 0 : index
        %get3A_112 = arith.constant 0 : index
        %get3A_113 = vector.load %arg5[%get3A_110, %get3A_111, %get3A_112] : memref<1x1x3072xf32, #tpu.memory_space<vmem>>, vector<1x1x3072xf32>
        %get3A_114 = vector.shape_cast %get3A_113 : vector<1x1x3072xf32> to vector<1x3072xf32>
        %add3A_115 = vector.broadcast %get3A_114 : vector<1x3072xf32> to vector<64x3072xf32>
        %add3A_116 = arith.addf %dot_general3A_109, %add3A_115 : vector<64x3072xf32>
        %mul3A_117 = arith.constant 5.000000e-01 : f32
        %mul3A_118 = vector.broadcast %mul3A_117 : f32 to vector<64x3072xf32>
        %mul3A_119 = arith.mulf %mul3A_118, %add3A_116 : vector<64x3072xf32>
        %mul3A_120 = arith.constant 0.707106769 : f32
        %mul3A_121 = vector.broadcast %mul3A_120 : f32 to vector<64x3072xf32>
        %mul3A_122 = arith.mulf %add3A_116, %mul3A_121 : vector<64x3072xf32>
        %erf3A_123 = math.erf %mul3A_122 : vector<64x3072xf32>
        %add3A_124 = arith.constant 1.000000e+00 : f32
        %add3A_125 = vector.broadcast %add3A_124 : f32 to vector<64x3072xf32>
        %add3A_126 = arith.addf %add3A_125, %erf3A_123 : vector<64x3072xf32>
        %mul3A_127 = arith.mulf %mul3A_119, %add3A_126 : vector<64x3072xf32>
        %swap3A_128 = arith.constant 0 : index
        %swap3A_129 = arith.constant 0 : index
        %swap3A_130 = vector.load %arg8[%swap3A_128, %swap3A_129] : memref<64x3072xf32, #tpu.memory_space<vmem>>, vector<64x3072xf32>
        tpu.vector_store %arg8[%swap3A_128, %swap3A_129], %mul3A_127 {strides = array<i32>} : memref<64x3072xf32, #tpu.memory_space<vmem>>, vector<64x3072xf32>,
        %add3A_131 = arith.constant 1 : i32
        %add3A_132 = arith.addi %mul3A_37, %add3A_131 : i32
        %add3A_133 = arith.addi %get3A_0, %add3A_132 : i32
        %mul3A_134 = arith.constant 64 : i32
        %mul3A_135 = arith.muli %add3A_133, %mul3A_134 : i32
        %dma_start3A_136 = arith.constant 1 : i32
        %dma_start3A_137 = tpu.memref_slice %arg9[%dma_start3A_136] : memref<2x!tpu.dma_semaphore, #tpu.memory_space<semaphore_mem>> -> memref<1x!tpu.dma_semaphore, #tpu.memory_space<semaphore_mem>>
        %dma_start3A_138 = tpu.memref_squeeze %dma_start3A_137 : memref<1x!tpu.dma_semaphore, #tpu.memory_space<semaphore_mem>> -> memref<!tpu.dma_semaphore, #tpu.memory_space<semaphore_mem>>
        %dma_start3A_139 = arith.constant 0 : i32
        %dma_start3A_140 = tpu.memref_slice %arg6[%mul3A_135, %dma_start3A_139] : memref<6144x3072xf32, #tpu.memory_space<any>> -> memref<64x3072xf32, #tpu.memory_space<any>>
        tpu.enqueue_dma source(%arg8 : memref<64x3072xf32, #tpu.memory_space<vmem>>) target(%dma_start3A_140 : memref<64x3072xf32, #tpu.memory_space<any>>) target_semaphore(%dma_start3A_138 : memref<!tpu.dma_semaphore, #tpu.memory_space<semaphore_mem>>)
      } else {
      }
    }
    %while3A_28 = arith.constant 1 : i32
    scf.for %while3A_36 = %while3A_26 to %while3A_22 step %while3A_28  : i32 {
      %mul3A = arith.constant 2 : i32
      %mul3A_37 = arith.muli %while3A_36, %mul3A : i32
      %gt3A_38 = arith.constant 0 : i32
      %gt3A_39 = arith.cmpi sgt, %while3A_36, %gt3A_38 : i32
      %convert_element_type3A_40 = arith.extui %gt3A_39 : i1 to i32
      %cond3A_41 = arith.constant 0 : i32
      %cond3A_42 = arith.cmpi ne, %convert_element_type3A_40, %cond3A_41 : i32
      scf.if %cond3A_42 {
        %add3A_88 = arith.constant 0 : i32
        %add3A_89 = arith.addi %get3A_0, %add3A_88 : i32
        %mul3A_90 = arith.constant 64 : i32
        %mul3A_91 = arith.muli %add3A_89, %mul3A_90 : i32
        %dma_wait3A = arith.constant 0 : i32
        %dma_wait3A_92 = tpu.memref_slice %arg9[%dma_wait3A] : memref<2x!tpu.dma_semaphore, #tpu.memory_space<semaphore_mem>> -> memref<1x!tpu.dma_semaphore, #tpu.memory_space<semaphore_mem>>
        %dma_wait3A_93 = tpu.memref_squeeze %dma_wait3A_92 : memref<1x!tpu.dma_semaphore, #tpu.memory_space<semaphore_mem>> -> memref<!tpu.dma_semaphore, #tpu.memory_space<semaphore_mem>>
        %dma_wait3A_94 = arith.constant 0 : i32
        %dma_wait3A_95 = tpu.memref_slice %arg6[%mul3A_91, %dma_wait3A_94] : memref<6144x3072xf32, #tpu.memory_space<any>> -> memref<64x3072xf32, #tpu.memory_space<any>>
        tpu.wait_dma2 semaphore(%dma_wait3A_93 : memref<!tpu.dma_semaphore, #tpu.memory_space<semaphore_mem>>) src(%arg7 : memref<64x3072xf32, #tpu.memory_space<vmem>>) dst(%dma_wait3A_95 : memref<64x3072xf32, #tpu.memory_space<any>>)
      } else {
      }
      %add3A_43 = arith.addi %get3A_0, %mul3A_37 : i32
      %mul3A_44 = arith.constant 64 : i32
      %mul3A_45 = arith.muli %add3A_43, %mul3A_44 : i32
      %get3A_46 = arith.index_cast %mul3A_45 : i32 to index
      %get3A_47 = arith.constant 0 : index
      %get3A_48 = vector.load %arg3[%get3A_46, %get3A_47] : memref<6144x768xf32, #tpu.memory_space<vmem>>, vector<64x768xf32>
      %convert_element_type3A_49 = arith.truncf %get3A_48 : vector<64x768xf32> to vector<64x768xbf16>
      %get3A_50 = arith.constant 0 : index
      %get3A_51 = arith.constant 0 : index
      %get3A_52 = arith.constant 0 : index
      %get3A_53 = vector.load %arg4[%get3A_50, %get3A_51, %get3A_52] : memref<1x768x3072xf32, #tpu.memory_space<vmem>>, vector<1x768x3072xf32>
      %get3A_54 = vector.shape_cast %get3A_53 : vector<1x768x3072xf32> to vector<768x3072xf32>
      %convert_element_type3A_55 = arith.truncf %get3A_54 : vector<768x3072xf32> to vector<768x3072xbf16>
      %dot_general3A = arith.constant dense<0.000000e+00> : vector<64x3072xf32>
      %dot_general3A_56 = tpu.matmul %convert_element_type3A_49, %convert_element_type3A_55, %dot_general3A {dimension_numbers = #tpu.dot_dimension_numbers<[1], [0], [0], [1], [0, 0, 1, 1], [], []>, transpose_lhs_hint = false} : vector<64x768xbf16>, vector<768x3072xbf16>, vector<64x3072xf32> -> vector<64x3072xf32>
      %get3A_57 = arith.constant 0 : index
      %get3A_58 = arith.constant 0 : index
      %get3A_59 = arith.constant 0 : index
      %get3A_60 = vector.load %arg5[%get3A_57, %get3A_58, %get3A_59] : memref<1x1x3072xf32, #tpu.memory_space<vmem>>, vector<1x1x3072xf32>
      %get3A_61 = vector.shape_cast %get3A_60 : vector<1x1x3072xf32> to vector<1x3072xf32>
      %add3A_62 = vector.broadcast %get3A_61 : vector<1x3072xf32> to vector<64x3072xf32>
      %add3A_63 = arith.addf %dot_general3A_56, %add3A_62 : vector<64x3072xf32>
      %mul3A_64 = arith.constant 5.000000e-01 : f32
      %mul3A_65 = vector.broadcast %mul3A_64 : f32 to vector<64x3072xf32>
      %mul3A_66 = arith.mulf %mul3A_65, %add3A_63 : vector<64x3072xf32>
      %mul3A_67 = arith.constant 0.707106769 : f32
      %mul3A_68 = vector.broadcast %mul3A_67 : f32 to vector<64x3072xf32>
      %mul3A_69 = arith.mulf %add3A_63, %mul3A_68 : vector<64x3072xf32>
      %erf3A = math.erf %mul3A_69 : vector<64x3072xf32>
      %add3A_70 = arith.constant 1.000000e+00 : f32
      %add3A_71 = vector.broadcast %add3A_70 : f32 to vector<64x3072xf32>
      %add3A_72 = arith.addf %add3A_71, %erf3A : vector<64x3072xf32>
      %mul3A_73 = arith.mulf %mul3A_66, %add3A_72 : vector<64x3072xf32>
      %swap3A = arith.constant 0 : index
      %swap3A_74 = arith.constant 0 : index
      %swap3A_75 = vector.load %arg7[%swap3A, %swap3A_74] : memref<64x3072xf32, #tpu.memory_space<vmem>>, vector<64x3072xf32>
      tpu.vector_store %arg7[%swap3A, %swap3A_74], %mul3A_73 {strides = array<i32>} : memref<64x3072xf32, #tpu.memory_space<vmem>>, vector<64x3072xf32>,
      %add3A_76 = arith.addi %get3A_0, %mul3A_37 : i32
      %mul3A_77 = arith.constant 64 : i32
      %mul3A_78 = arith.muli %add3A_76, %mul3A_77 : i32
      %dma_start3A = arith.constant 0 : i32
      %dma_start3A_79 = tpu.memref_slice %arg9[%dma_start3A] : memref<2x!tpu.dma_semaphore, #tpu.memory_space<semaphore_mem>> -> memref<1x!tpu.dma_semaphore, #tpu.memory_space<semaphore_mem>>
      %dma_start3A_80 = tpu.memref_squeeze %dma_start3A_79 : memref<1x!tpu.dma_semaphore, #tpu.memory_space<semaphore_mem>> -> memref<!tpu.dma_semaphore, #tpu.memory_space<semaphore_mem>>
      %dma_start3A_81 = arith.constant 0 : i32
      %dma_start3A_82 = tpu.memref_slice %arg6[%mul3A_78, %dma_start3A_81] : memref<6144x3072xf32, #tpu.memory_space<any>> -> memref<64x3072xf32, #tpu.memory_space<any>>
      tpu.enqueue_dma source(%arg7 : memref<64x3072xf32, #tpu.memory_space<vmem>>) target(%dma_start3A_82 : memref<64x3072xf32, #tpu.memory_space<any>>) target_semaphore(%dma_start3A_80 : memref<!tpu.dma_semaphore, #tpu.memory_space<semaphore_mem>>)
      %add3A_83 = arith.constant 1 : i32
      %add3A_84 = arith.addi %mul3A_37, %add3A_83 : i32
      %lt3A = arith.cmpi slt, %add3A_84, %get3A_2 : i32
      %convert_element_type3A_85 = arith.extui %lt3A : i1 to i32
      %cond3A_86 = arith.constant 0 : i32
      %cond3A_87 = arith.cmpi ne, %convert_element_type3A_85, %cond3A_86 : i32
      scf.if %cond3A_87 {
        %gt3A_88 = arith.constant 0 : i32
        %gt3A_89 = arith.cmpi sgt, %while3A_36, %gt3A_88 : i32
        %convert_element_type3A_90 = arith.extui %gt3A_89 : i1 to i32
        %cond3A_91 = arith.constant 0 : i32
        %cond3A_92 = arith.cmpi ne, %convert_element_type3A_90, %cond3A_91 : i32
        scf.if %cond3A_92 {
          %add3A_141 = arith.constant 0 : i32
          %add3A_142 = arith.addi %get3A_0, %add3A_141 : i32
          %mul3A_143 = arith.constant 64 : i32
          %mul3A_144 = arith.muli %add3A_142, %mul3A_143 : i32
          %dma_wait3A = arith.constant 1 : i32
          %dma_wait3A_145 = tpu.memref_slice %arg9[%dma_wait3A] : memref<2x!tpu.dma_semaphore, #tpu.memory_space<semaphore_mem>> -> memref<1x!tpu.dma_semaphore, #tpu.memory_space<semaphore_mem>>
          %dma_wait3A_146 = tpu.memref_squeeze %dma_wait3A_145 : memref<1x!tpu.dma_semaphore, #tpu.memory_space<semaphore_mem>> -> memref<!tpu.dma_semaphore, #tpu.memory_space<semaphore_mem>>
          %dma_wait3A_147 = arith.constant 0 : i32
          %dma_wait3A_148 = tpu.memref_slice %arg6[%mul3A_144, %dma_wait3A_147] : memref<6144x3072xf32, #tpu.memory_space<any>> -> memref<64x3072xf32, #tpu.memory_space<any>>
          tpu.wait_dma2 semaphore(%dma_wait3A_146 : memref<!tpu.dma_semaphore, #tpu.memory_space<semaphore_mem>>) src(%arg8 : memref<64x3072xf32, #tpu.memory_space<vmem>>) dst(%dma_wait3A_148 : memref<64x3072xf32, #tpu.memory_space<any>>)
        } else {
        }
        %add3A_93 = arith.constant 1 : i32
        %add3A_94 = arith.addi %mul3A_37, %add3A_93 : i32
        %add3A_95 = arith.addi %get3A_0, %add3A_94 : i32
        %mul3A_96 = arith.constant 64 : i32
        %mul3A_97 = arith.muli %add3A_95, %mul3A_96 : i32
        %get3A_98 = arith.index_cast %mul3A_97 : i32 to index
        %get3A_99 = arith.constant 0 : index
        %get3A_100 = vector.load %arg3[%get3A_98, %get3A_99] : memref<6144x768xf32, #tpu.memory_space<vmem>>, vector<64x768xf32>
        %convert_element_type3A_101 = arith.truncf %get3A_100 : vector<64x768xf32> to vector<64x768xbf16>
        %get3A_102 = arith.constant 0 : index
        %get3A_103 = arith.constant 0 : index
        %get3A_104 = arith.constant 0 : index
        %get3A_105 = vector.load %arg4[%get3A_102, %get3A_103, %get3A_104] : memref<1x768x3072xf32, #tpu.memory_space<vmem>>, vector<1x768x3072xf32>
        %get3A_106 = vector.shape_cast %get3A_105 : vector<1x768x3072xf32> to vector<768x3072xf32>
        %convert_element_type3A_107 = arith.truncf %get3A_106 : vector<768x3072xf32> to vector<768x3072xbf16>
        %dot_general3A_108 = arith.constant dense<0.000000e+00> : vector<64x3072xf32>
        %dot_general3A_109 = tpu.matmul %convert_element_type3A_101, %convert_element_type3A_107, %dot_general3A_108 {dimension_numbers = #tpu.dot_dimension_numbers<[1], [0], [0], [1], [0, 0, 1, 1], [], []>, transpose_lhs_hint = false} : vector<64x768xbf16>, vector<768x3072xbf16>, vector<64x3072xf32> -> vector<64x3072xf32>
        %get3A_110 = arith.constant 0 : index
        %get3A_111 = arith.constant 0 : index
        %get3A_112 = arith.constant 0 : index
        %get3A_113 = vector.load %arg5[%get3A_110, %get3A_111, %get3A_112] : memref<1x1x3072xf32, #tpu.memory_space<vmem>>, vector<1x1x3072xf32>
        %get3A_114 = vector.shape_cast %get3A_113 : vector<1x1x3072xf32> to vector<1x3072xf32>
        %add3A_115 = vector.broadcast %get3A_114 : vector<1x3072xf32> to vector<64x3072xf32>
        %add3A_116 = arith.addf %dot_general3A_109, %add3A_115 : vector<64x3072xf32>
        %mul3A_117 = arith.constant 5.000000e-01 : f32
        %mul3A_118 = vector.broadcast %mul3A_117 : f32 to vector<64x3072xf32>
        %mul3A_119 = arith.mulf %mul3A_118, %add3A_116 : vector<64x3072xf32>
        %mul3A_120 = arith.constant 0.707106769 : f32
        %mul3A_121 = vector.broadcast %mul3A_120 : f32 to vector<64x3072xf32>
        %mul3A_122 = arith.mulf %add3A_116, %mul3A_121 : vector<64x3072xf32>
        %erf3A_123 = math.erf %mul3A_122 : vector<64x3072xf32>
        %add3A_124 = arith.constant 1.000000e+00 : f32
        %add3A_125 = vector.broadcast %add3A_124 : f32 to vector<64x3072xf32>
        %add3A_126 = arith.addf %add3A_125, %erf3A_123 : vector<64x3072xf32>
        %mul3A_127 = arith.mulf %mul3A_119, %add3A_126 : vector<64x3072xf32>
        %swap3A_128 = arith.constant 0 : index
        %swap3A_129 = arith.constant 0 : index
        %swap3A_130 = vector.load %arg8[%swap3A_128, %swap3A_129] : memref<64x3072xf32, #tpu.memory_space<vmem>>, vector<64x3072xf32>
        tpu.vector_store %arg8[%swap3A_128, %swap3A_129], %mul3A_127 {strides = array<i32>} : memref<64x3072xf32, #tpu.memory_space<vmem>>, vector<64x3072xf32>,
        %add3A_131 = arith.constant 1 : i32
        %add3A_132 = arith.addi %mul3A_37, %add3A_131 : i32
        %add3A_133 = arith.addi %get3A_0, %add3A_132 : i32
        %mul3A_134 = arith.constant 64 : i32
        %mul3A_135 = arith.muli %add3A_133, %mul3A_134 : i32
        %dma_start3A_136 = arith.constant 1 : i32
        %dma_start3A_137 = tpu.memref_slice %arg9[%dma_start3A_136] : memref<2x!tpu.dma_semaphore, #tpu.memory_space<semaphore_mem>> -> memref<1x!tpu.dma_semaphore, #tpu.memory_space<semaphore_mem>>
        %dma_start3A_138 = tpu.memref_squeeze %dma_start3A_137 : memref<1x!tpu.dma_semaphore, #tpu.memory_space<semaphore_mem>> -> memref<!tpu.dma_semaphore, #tpu.memory_space<semaphore_mem>>
        %dma_start3A_139 = arith.constant 0 : i32
        %dma_start3A_140 = tpu.memref_slice %arg6[%mul3A_135, %dma_start3A_139] : memref<6144x3072xf32, #tpu.memory_space<any>> -> memref<64x3072xf32, #tpu.memory_space<any>>
        tpu.enqueue_dma source(%arg8 : memref<64x3072xf32, #tpu.memory_space<vmem>>) target(%dma_start3A_140 : memref<64x3072xf32, #tpu.memory_space<any>>) target_semaphore(%dma_start3A_138 : memref<!tpu.dma_semaphore, #tpu.memory_space<semaphore_mem>>)
      } else {
      }
    }
    %gt3A = arith.constant 0 : i32
    %gt3A_29 = arith.cmpi sgt, %get3A_2, %gt3A : i32
    %convert_element_type3A = arith.extui %gt3A_29 : i1 to i32
    %cond3A = arith.constant 0 : i32
    %cond3A_30 = arith.cmpi ne, %convert_element_type3A, %cond3A : i32
    scf.if %cond3A_30 {
      %add3A_36 = arith.constant 0 : i32
      %add3A_37 = arith.addi %get3A_0, %add3A_36 : i32
      %mul3A = arith.constant 64 : i32
      %mul3A_38 = arith.muli %add3A_37, %mul3A : i32
      %dma_wait3A = arith.constant 0 : i32
      %dma_wait3A_39 = tpu.memref_slice %arg9[%dma_wait3A] : memref<2x!tpu.dma_semaphore, #tpu.memory_space<semaphore_mem>> -> memref<1x!tpu.dma_semaphore, #tpu.memory_space<semaphore_mem>>
      %dma_wait3A_40 = tpu.memref_squeeze %dma_wait3A_39 : memref<1x!tpu.dma_semaphore, #tpu.memory_space<semaphore_mem>> -> memref<!tpu.dma_semaphore, #tpu.memory_space<semaphore_mem>>
      %dma_wait3A_41 = arith.constant 0 : i32
      %dma_wait3A_42 = tpu.memref_slice %arg6[%mul3A_38, %dma_wait3A_41] : memref<6144x3072xf32, #tpu.memory_space<any>> -> memref<64x3072xf32, #tpu.memory_space<any>>
      tpu.wait_dma2 semaphore(%dma_wait3A_40 : memref<!tpu.dma_semaphore, #tpu.memory_space<semaphore_mem>>) src(%arg7 : memref<64x3072xf32, #tpu.memory_space<vmem>>) dst(%dma_wait3A_42 : memref<64x3072xf32, #tpu.memory_space<any>>)
    } else {
    }
    %gt3A_31 = arith.constant 1 : i32
    %gt3A_32 = arith.cmpi sgt, %get3A_2, %gt3A_31 : i32
    %convert_element_type3A_33 = arith.extui %gt3A_32 : i1 to i32
    %cond3A_34 = arith.constant 0 : i32
    %cond3A_35 = arith.cmpi ne, %convert_element_type3A_33, %cond3A_34 : i32
    scf.if %cond3A_35 {
      %add3A_36 = arith.constant 0 : i32
      %add3A_37 = arith.addi %get3A_0, %add3A_36 : i32
      %mul3A = arith.constant 64 : i32
      %mul3A_38 = arith.muli %add3A_37, %mul3A : i32
      %dma_wait3A = arith.constant 1 : i32
      %dma_wait3A_39 = tpu.memref_slice %arg9[%dma_wait3A] : memref<2x!tpu.dma_semaphore, #tpu.memory_space<semaphore_mem>> -> memref<1x!tpu.dma_semaphore, #tpu.memory_space<semaphore_mem>>
      %dma_wait3A_40 = tpu.memref_squeeze %dma_wait3A_39 : memref<1x!tpu.dma_semaphore, #tpu.memory_space<semaphore_mem>> -> memref<!tpu.dma_semaphore, #tpu.memory_space<semaphore_mem>>
      %dma_wait3A_41 = arith.constant 0 : i32
      %dma_wait3A_42 = tpu.memref_slice %arg6[%mul3A_38, %dma_wait3A_41] : memref<6144x3072xf32, #tpu.memory_space<any>> -> memref<64x3072xf32, #tpu.memory_space<any>>
      tpu.wait_dma2 semaphore(%dma_wait3A_40 : memref<!tpu.dma_semaphore, #tpu.memory_space<semaphore_mem>>) src(%arg8 : memref<64x3072xf32, #tpu.memory_space<vmem>>) dst(%dma_wait3A_42 : memref<64x3072xf32, #tpu.memory_space<any>>)
    } else {
    }
    return
  }
  func.func @transform_0(%arg0: i32, %arg1: memref<64xi32, #tpu.memory_space<smem>>, %arg2: memref<64xi32, #tpu.memory_space<smem>>) -> (i32, i32) {
    %c0_i32 = arith.constant 0 : i32
    %c0_i32_0 = arith.constant 0 : i32
    %c0_i32_1 = arith.constant 0 : i32
    return %c0_i32, %c0_i32_0 : i32, i32
  }
  func.func @transform_1(%arg0: i32, %arg1: memref<64xi32, #tpu.memory_space<smem>>, %arg2: memref<64xi32, #tpu.memory_space<smem>>) -> (i32, i32, i32) {
    %c0_i32 = arith.constant 0 : i32
    %c0_i32_0 = arith.constant 0 : i32
    %c0_i32_1 = arith.constant 0 : i32
    return %arg0, %c0_i32, %c0_i32_0 : i32, i32, i32
  }
  func.func @transform_2(%arg0: i32, %arg1: memref<64xi32, #tpu.memory_space<smem>>, %arg2: memref<64xi32, #tpu.memory_space<smem>>) -> (i32, i32, i32) {
    %c0_i32 = arith.constant 0 : i32
    %c0_i32_0 = arith.constant 0 : i32
    %c0_i32_1 = arith.constant 0 : i32
    return %arg0, %c0_i32, %c0_i32_0 : i32, i32, i32
  }
}

module attributes {stable_mosaic.version = 14 : i64} {
  func.func @_down_body(%arg0: i32, %arg1: memref<512x3072xf32, #tpu.memory_space<vmem>>, %arg2: memref<3072x768xf32, #tpu.memory_space<vmem>>, %arg3: memref<1x768xf32, #tpu.memory_space<vmem>>, %arg4: memref<512x768xf32, #tpu.memory_space<vmem>>, %arg5: memref<1x768xf32, #tpu.memory_space<vmem>>, %arg6: memref<1x768xf32, #tpu.memory_space<vmem>>, %arg7: memref<512x768xf32, #tpu.memory_space<vmem>>) attributes {dimension_semantics = [#tpu.dimension_semantics<arbitrary>], iteration_bounds = array<i64: 4>, scalar_prefetch = 0 : i64, scratch_operands = 0 : i64, tpu.core_type = #tpu.core_type<tc>, window_params = [{transform_indices = @transform_0, window_bounds = array<i64: 512, 3072>}, {pipeline_mode = #tpu.pipeline_mode<synchronous>, transform_indices = @transform_1, window_bounds = array<i64: 3072, 768>}, {pipeline_mode = #tpu.pipeline_mode<synchronous>, transform_indices = @transform_2, window_bounds = array<i64: 1, 768>}, {transform_indices = @transform_3, window_bounds = array<i64: 512, 768>}, {pipeline_mode = #tpu.pipeline_mode<synchronous>, transform_indices = @transform_4, window_bounds = array<i64: 1, 768>}, {pipeline_mode = #tpu.pipeline_mode<synchronous>, transform_indices = @transform_5, window_bounds = array<i64: 1, 768>}, {transform_indices = @transform_6, window_bounds = array<i64: 512, 768>}]} {
    %get3A = arith.constant 0 : index
    %get3A_0 = arith.constant 0 : index
    %get3A_1 = vector.load %arg1[%get3A, %get3A_0] : memref<512x3072xf32, #tpu.memory_space<vmem>>, vector<512x3072xf32>
    %convert_element_type3A = arith.truncf %get3A_1 : vector<512x3072xf32> to vector<512x3072xbf16>
    %get3A_2 = arith.constant 0 : index
    %get3A_3 = arith.constant 0 : index
    %get3A_4 = vector.load %arg2[%get3A_2, %get3A_3] : memref<3072x768xf32, #tpu.memory_space<vmem>>, vector<3072x768xf32>
    %convert_element_type3A_5 = arith.truncf %get3A_4 : vector<3072x768xf32> to vector<3072x768xbf16>
    %dot_general3A = arith.constant dense<0.000000e+00> : vector<512x768xf32>
    %dot_general3A_6 = tpu.matmul %convert_element_type3A, %convert_element_type3A_5, %dot_general3A {dimension_numbers = #tpu.dot_dimension_numbers<[1], [0], [0], [1], [0, 0, 1, 1], [], []>, transpose_lhs_hint = false} : vector<512x3072xbf16>, vector<3072x768xbf16>, vector<512x768xf32> -> vector<512x768xf32>
    %get3A_7 = arith.constant 0 : index
    %get3A_8 = arith.constant 0 : index
    %get3A_9 = vector.load %arg3[%get3A_7, %get3A_8] : memref<1x768xf32, #tpu.memory_space<vmem>>, vector<1x768xf32>
    %add3A = vector.broadcast %get3A_9 : vector<1x768xf32> to vector<512x768xf32>
    %add3A_10 = arith.addf %dot_general3A_6, %add3A : vector<512x768xf32>
    %get3A_11 = arith.constant 0 : index
    %get3A_12 = arith.constant 0 : index
    %get3A_13 = vector.load %arg4[%get3A_11, %get3A_12] : memref<512x768xf32, #tpu.memory_space<vmem>>, vector<512x768xf32>
    %add3A_14 = arith.addf %add3A_10, %get3A_13 : vector<512x768xf32>
    %reduce_sum3A = arith.constant dense<0.000000e+00> : vector<512xf32>
    %reduce_sum3A_15 = vector.multi_reduction <add>, %add3A_14, %reduce_sum3A [1] : vector<512x768xf32> to vector<512xf32>
    %broadcast_in_dim3A = vector.shape_cast %reduce_sum3A_15 : vector<512xf32> to vector<512x1xf32>
    %div3A = arith.constant 7.680000e+02 : f32
    %div3A_16 = vector.broadcast %div3A : f32 to vector<512x1xf32>
    %div3A_17 = arith.divf %broadcast_in_dim3A, %div3A_16 : vector<512x1xf32>
    %sub3A = vector.broadcast %div3A_17 : vector<512x1xf32> to vector<512x768xf32>
    %sub3A_18 = arith.subf %add3A_14, %sub3A : vector<512x768xf32>
    %mul3A = arith.mulf %sub3A_18, %sub3A_18 : vector<512x768xf32>
    %reduce_sum3A_19 = arith.constant dense<0.000000e+00> : vector<512xf32>
    %reduce_sum3A_20 = vector.multi_reduction <add>, %mul3A, %reduce_sum3A_19 [1] : vector<512x768xf32> to vector<512xf32>
    %broadcast_in_dim3A_21 = vector.shape_cast %reduce_sum3A_20 : vector<512xf32> to vector<512x1xf32>
    %div3A_22 = arith.constant 7.680000e+02 : f32
    %div3A_23 = vector.broadcast %div3A_22 : f32 to vector<512x1xf32>
    %div3A_24 = arith.divf %broadcast_in_dim3A_21, %div3A_23 : vector<512x1xf32>
    %add3A_25 = arith.constant 9.99999996E-13 : f32
    %add3A_26 = vector.broadcast %add3A_25 : f32 to vector<512x1xf32>
    %add3A_27 = arith.addf %div3A_24, %add3A_26 : vector<512x1xf32>
    %rsqrt3A = math.rsqrt %add3A_27 : vector<512x1xf32>
    %mul3A_28 = vector.broadcast %rsqrt3A : vector<512x1xf32> to vector<512x768xf32>
    %mul3A_29 = arith.mulf %sub3A_18, %mul3A_28 : vector<512x768xf32>
    %get3A_30 = arith.constant 0 : index
    %get3A_31 = arith.constant 0 : index
    %get3A_32 = vector.load %arg5[%get3A_30, %get3A_31] : memref<1x768xf32, #tpu.memory_space<vmem>>, vector<1x768xf32>
    %mul3A_33 = vector.broadcast %get3A_32 : vector<1x768xf32> to vector<512x768xf32>
    %mul3A_34 = arith.mulf %mul3A_29, %mul3A_33 : vector<512x768xf32>
    %get3A_35 = arith.constant 0 : index
    %get3A_36 = arith.constant 0 : index
    %get3A_37 = vector.load %arg6[%get3A_35, %get3A_36] : memref<1x768xf32, #tpu.memory_space<vmem>>, vector<1x768xf32>
    %add3A_38 = vector.broadcast %get3A_37 : vector<1x768xf32> to vector<512x768xf32>
    %add3A_39 = arith.addf %mul3A_34, %add3A_38 : vector<512x768xf32>
    %swap3A = arith.constant 0 : index
    %swap3A_40 = arith.constant 0 : index
    %swap3A_41 = vector.load %arg7[%swap3A, %swap3A_40] : memref<512x768xf32, #tpu.memory_space<vmem>>, vector<512x768xf32>
    tpu.vector_store %arg7[%swap3A, %swap3A_40], %add3A_39 {strides = array<i32>} : memref<512x768xf32, #tpu.memory_space<vmem>>, vector<512x768xf32>,
    return
  }
  func.func @transform_0(%arg0: i32) -> (i32, i32) {
    %c0_i32 = arith.constant 0 : i32
    %c0_i32_0 = arith.constant 0 : i32
    return %arg0, %c0_i32 : i32, i32
  }
  func.func @transform_1(%arg0: i32) -> (i32, i32) {
    %c0_i32 = arith.constant 0 : i32
    %c0_i32_0 = arith.constant 0 : i32
    %c0_i32_1 = arith.constant 0 : i32
    return %c0_i32, %c0_i32_0 : i32, i32
  }
  func.func @transform_2(%arg0: i32) -> (i32, i32) {
    %c0_i32 = arith.constant 0 : i32
    %c0_i32_0 = arith.constant 0 : i32
    %c0_i32_1 = arith.constant 0 : i32
    return %c0_i32, %c0_i32_0 : i32, i32
  }
  func.func @transform_3(%arg0: i32) -> (i32, i32) {
    %c0_i32 = arith.constant 0 : i32
    %c0_i32_0 = arith.constant 0 : i32
    return %arg0, %c0_i32 : i32, i32
  }
  func.func @transform_4(%arg0: i32) -> (i32, i32) {
    %c0_i32 = arith.constant 0 : i32
    %c0_i32_0 = arith.constant 0 : i32
    %c0_i32_1 = arith.constant 0 : i32
    return %c0_i32, %c0_i32_0 : i32, i32
  }
  func.func @transform_5(%arg0: i32) -> (i32, i32) {
    %c0_i32 = arith.constant 0 : i32
    %c0_i32_0 = arith.constant 0 : i32
    %c0_i32_1 = arith.constant 0 : i32
    return %c0_i32, %c0_i32_0 : i32, i32
  }
  func.func @transform_6(%arg0: i32) -> (i32, i32) {
    %c0_i32 = arith.constant 0 : i32
    %c0_i32_0 = arith.constant 0 : i32
    return %arg0, %c0_i32 : i32, i32
  }
}

</mosaic_0001>

<sc_bundles>
// kernel: kernel.10.cloned.1.call-start
scs
__scs_entry_jumppad:
0x0: {  	(pc) =	sbr.rel $0x88, $3  }
0x1: {  	(tag) =	ssettag $0x0;
	lr =	simm.s32 $0x1  }
0x2: {  	[smem:$0x3F99] =	sst lr;
	_ =	strace $0xD0000000  }
0x3: {  	_ = 	snop  }
0x4: {  	_ = 	snop  }
0x5: {  	_ = 	snop  }
0x6: {  	_ = 	snop  }
0x7: {  	_ = 	snop  }
__scs_overlays_trampoline_lowered:
0x8: {  	[smem:$0x3FA8] =	sst s0  }
0x9: {  	[smem:$0x3FA9] =	sst s1  }
0xa: {  	[smem:$0x3FAA] =	sst s2  }
0xb: {  	[smem:$0x3FAB] =	sst s3  }
0xc: {  	[smem:$0x3FAC] =	sst s4  }
0xd: {  	[smem:$0x3FAD] =	sst s5  }
0xe: {  	[smem:$0x3FAE] =	sst s6  }
0xf: {  	[smem:$0x3FAF] =	sst s7  }
0x10: {  	[smem:$0x3FB0] =	sst s8  }
0x11: {  	[smem:$0x3FB1] =	sst s9;
	s0 =	simm.s32 @!p0 $0x0  }
0x12: {  	s1 =	sld [smem:$0x3F97];
	s0 =	simm.s32 @p0 $0x1  }
0x13: {  	[smem:$0x3FB2] =	sst s0;
	s0 =	simm.s32 @!p1 $0x0  }
0x14: {  	s2 =	sld [smem:$0x3F96];
	s0 =	simm.s32 @p1 $0x1  }
0x15: {  	[smem:$0x3FB3] =	sst s0;
	s0 =	simm.s32 @!p2 $0x0  }
0x16: {  	s3 =	sld [smem:$0x3FDB];
	s0 =	simm.s32 @p2 $0x1  }
0x17: {  	s4 =	simm.s32 $0x1BF5;
	[smem:$0x3FB5] =	sst s0  }
0x18: {  	s0 =	sld [smem:$0x3F98];
	_ =	swait.ge [sflag:s4], $0x0  }
0x19: {  	s7 =	sld [smem:$0x3F99]  }
0x1a: {  	s8 =	sadd.s32 $0xFFFFE003, lr  }
0x1b: {  	s9 =	sadd.s32 $0xFFFFFEF7, lr;
	s5 =	simm.s32 $0xFFFFFFFF;
	p2 =	slt.u32 s8, $0xFFFFF086  }
0x1c: {  	p1 =	slt.u32 s9, $0xF7A;
	s5 =	simm.s32 @!p2 $0x0  }
0x1d: {  	s5 =	simm.s32 @p1 $0x1;
	p0 =	seq.s32 s7, s2  }
0x1e: {  	s7 =	smul.u32 @!p0 $0xF7A, s2;
	p2 =	seq.s32 @!p0 s5, $0x0  }
0x1f: {  	s9 =	smul.u32 $0xF7A, s1;
	s8 =	simm.s32 @!p0 $0x1BF5;
	p2 =	por !p2, p0  }
0x20: {  	[sflag:s8] =	ssyncset.s32 @!p0 $0xFFFFF086;
	s6 =	sadd.s32 @!p0 s3, s7;
	s7 =	simm.s32 @!p0 $0x108  }
0x21: {  	s3 =	sadd.s32 s3, s9;
	s6 =	sadd.s32 @!p0 $0x88, s6;
	s7 =	simm.s32 @p2 $0x1082  }
0x22: {  	[simem:s7], [sflag:s8] =	dma.local @!p0 [hbm:s6], $0xF7A  }
0x23: {  	s9 =	sor.u32 $0xD0000000, s2;
	s6 =	simm.s32 $0x108;
	_ =	swait.ge @!p0 [sflag:s8], $0x0  }
0x24: {  	s3 =	sadd.s32 $0x88, s3;
	s6 =	simm.s32 @!p1 $0x1082;
	[sflag:s4] =	ssyncset.s32 $0xFFFFF086  }
0x25: {  	[simem:s6], [sflag:s4] =	dma.local [hbm:s3], $0xF7A  }
0x26: {  	[smem:$0x3F99] =	sst s1;
	(tag) =	ssettag s2;
	_ =	strace s9  }
0x27: {  	s1 =	sld [smem:$0x3FA9]  }
0x28: {  	s2 =	sld [smem:$0x3FAA]  }
0x29: {  	s4 =	sld [smem:$0x3FAC]  }
0x2a: {  	p0 =	seq.s32 s5, $0x0;
	s5 =	sld [smem:$0x3FAD]  }
0x2b: {  	s6 =	sld [smem:$0x3FAE]  }
0x2c: {  	s7 =	sld [smem:$0x3FAF]  }
0x2d: {  	s3 =	simm.s32 $0x108;
	s8 =	sld [smem:$0x3FB0]  }
0x2e: {  	s3 =	simm.s32 @!p0 $0x1082;
	s9 =	sld [smem:$0x3FB1]  }
0x2f: {  	lr =	sadd.s32 s0, s3;
	s0 =	sld [smem:$0x3FA8]  }
0x30: {  	s3 =	sld [smem:$0x3FAB]  }
0x31: {  	[smem:$0x3FB4] =	sst s10  }
0x32: {  	s10 =	sld [smem:$0x3FB2];
	_ =	sdelay $0x3  }
0x33: {  	p0 =	seq.s32 s10, $0x1;
	s10 =	sld [smem:$0x3FB4];
	_ =	sdelay $0x3  }
0x34: {  	[smem:$0x3FB4] =	sst s10  }
0x35: {  	s10 =	sld [smem:$0x3FB3];
	_ =	sdelay $0x3  }
0x36: {  	p1 =	seq.s32 s10, $0x1;
	s10 =	sld [smem:$0x3FB4];
	_ =	sdelay $0x3  }
0x37: {  	[smem:$0x3FB4] =	sst s10  }
0x38: {  	s10 =	sld [smem:$0x3FB5]  }
0x39: {  	_ = 	snop;
	(pc) =	sbr.ind lr, $3  }
0x3a: {  	_ = 	snop  }
0x3b: {  	_ = 	snop  }
0x3c: {  	p2 =	seq.s32 s10, $0x1;
	s10 =	sld [smem:$0x3FB4]  }
0x3d: {  	_ =	shalt  }
0x3e: {  	_ =	shalt  }
0x3f: {  	_ =	shalt  }
0x40: {  	_ =	shalt  }
0x41: {  	_ =	shalt  }
0x42: {  	_ =	shalt  }
0x43: {  	_ =	shalt  }
0x44: {  	_ =	shalt  }
0x45: {  	_ =	shalt  }
0x46: {  	_ =	shalt  }
0x47: {  	_ =	shalt  }
0x48: {  	_ =	shalt  }
0x49: {  	_ =	shalt  }
0x4a: {  	_ =	shalt  }
0x4b: {  	_ =	shalt  }
0x4c: {  	_ =	shalt  }
0x4d: {  	_ =	shalt  }
0x4e: {  	_ =	shalt  }
0x4f: {  	_ =	shalt  }
0x50: {  	_ =	shalt  }
0x51: {  	_ =	shalt  }
0x52: {  	_ =	shalt  }
0x53: {  	_ =	shalt  }
0x54: {  	_ =	shalt  }
0x55: {  	_ =	shalt  }
0x56: {  	_ =	shalt  }
0x57: {  	_ =	shalt  }
0x58: {  	_ =	shalt  }
0x59: {  	_ =	shalt  }
0x5a: {  	_ =	shalt  }
0x5b: {  	_ =	shalt  }
0x5c: {  	_ =	shalt  }
0x5d: {  	_ =	shalt  }
0x5e: {  	_ =	shalt  }
0x5f: {  	_ =	shalt  }
0x60: {  	_ =	shalt  }
0x61: {  	_ =	shalt  }
0x62: {  	_ =	shalt  }
0x63: {  	_ =	shalt  }
0x64: {  	_ =	shalt  }
0x65: {  	_ =	shalt  }
0x66: {  	_ =	shalt  }
0x67: {  	_ =	shalt  }
0x68: {  	_ =	shalt  }
0x69: {  	_ =	shalt  }
0x6a: {  	_ =	shalt  }
0x6b: {  	_ =	shalt  }
0x6c: {  	_ =	shalt  }
0x6d: {  	_ =	shalt  }
0x6e: {  	_ =	shalt  }
0x6f: {  	_ =	shalt  }
0x70: {  	_ =	shalt  }
0x71: {  	_ =	shalt  }
0x72: {  	_ =	shalt  }
0x73: {  	_ =	shalt  }
0x74: {  	_ =	shalt  }
0x75: {  	_ =	shalt  }
0x76: {  	_ =	shalt  }
0x77: {  	_ =	shalt  }
0x78: {  	_ =	shalt  }
0x79: {  	_ =	shalt  }
0x7a: {  	_ =	shalt  }
0x7b: {  	_ =	shalt  }
0x7c: {  	_ =	shalt  }
0x7d: {  	_ =	shalt  }
0x7e: {  	_ =	shalt  }
0x7f: {  	_ =	shalt  }
0x80: {  	_ =	shalt  }
0x81: {  	_ =	shalt  }
0x82: {  	_ =	shalt  }
0x83: {  	_ =	shalt  }
0x84: {  	_ =	shalt  }
0x85: {  	_ =	shalt  }
0x86: {  	_ =	shalt  }
0x87: {  	_ =	shalt  }
.Lfunc_end0:
.L_simem_size_0:
called_computation.1_lowered:
.L_overlay_start_0:
0x88: {  	s2 =	sld [smem:$0x3FD9]  }
0x89: {  	s3 =	sld [smem:$0x3FFE];
	_ =	sdelay $0x1  }
0x8a: {  	s1 =	srdreg.scid  }
0x8b: {  	s0 =	sand.u32 $0x1, s1  }
0x8c: {  	s17 =	sshll.u32 s0, $0xA;
	s2 =	sadd.s32 s3, s2  }
0x8d: {  	s2 =	sadd.s32 s2, s17  }
0x8e: {  	[smem:$0x3FC0] =	sst s2  }
0x8f: {  	_ = 	snop  }
0x90: {  	s2 =	sld [smem:$0x3FD0];
	(tm) =	ssettm $0x1  }
0x91: {  	s18 =	sld [smem:$0x3FFB];
	_ =	sdelay $0x3  }
0x92: {  	_ =	strace s18  }
0x93: {  	s3 =	sld [smem:$0x3FFC];
	_ =	sdelay $0x3  }
0x94: {  	_ =	strace s3  }
0x95: {  	s3 =	sld [smem:$0x3FFD];
	_ =	sdelay $0x3  }
0x96: {  	_ =	strace s3  }
0x97: {  	_ =	strace $0x8FFFFFFF  }
0x98: {  	s19 =	sld [smem:$0x3FDB];
	_ =	sdelay $0x1  }
0x99: {  	s4 =	simm.s32 $_scs_section_size  }
0x9a: {  	s5 =	simm.s32 $_size__tile_overlayer_lowered;
	s6 =	simm.s32 $_tile_overlayer_lowered  }
0x9b: {  	s22 =	simm.s32 $0x1BFF;
	s21 =	sshll.u32 s6, $0x1;
	s3 =	sadd.s32 s4, s19  }
0x9c: {  	s7 =	simm.s32 $0x0;
	s20 =	sshll.u32 s5, $0x1;
	s5 =	sadd.s32 s21, s3  }
0x9d: {  	[timem:s7], [sflag:s22] =	dma.local [hbm:s5], s20  }
0x9e: {  	_ =	swait.ge [sflag:s22], s20  }
0x9f: {  	s4 =	ssub.s32 $0x0, s20;
	[sflag:s22] =	ssyncset.done $0x0  }
0xa0: {  	[sflag:s22] =	ssyncadd.s32 s4;
	_ =	sdelay $0x1  }
0xa1: {  	s23 =	simm.s32 $0x1B8B  }
0xa2: {  	_ =	swait.ge [sflag:s23], $0x1  }
0xa3: {  	[sflag:s23] =	ssyncset.done $0x0  }
0xa4: {  	s25 =	simm.s32 $0x1B8E;
	s24 =	sld [smem:$0x3FFE];
	[sflag:s23] =	ssyncadd.s32 $0xFFFFFFFF  }
0xa5: {  	s26 =	simm.s32 $execute0_lowered;
	[smem:$0x3FD2] =	sst s25  }
0xa6: {  	s5 =	sshll.u32 s26, $0x1;
	_ =	strace $0x80000049;
	[dreg:$0x1] =	wrdreg $0xFFFFFFFF  }
0xa7: {  	s28 =	simm.s32 $_size_execute0_lowered;
	s3 =	sadd.s32 s3, s5;
	[dreg:$0x0] =	wrdreg $0x0  }
0xa8: {  	s5 =	sshll.u32 s28, $0x1;
	[dreg:$0x2] =	wrdreg s3  }
0xa9: {  	[dreg:$0x3] =	wrdreg s5  }
0xaa: {  	[dreg:$0x4] =	wrdreg $0xC0  }
0xab: {  	_ =	task [dreg:s7], $0x5FFFF  }
0xac: {  	[dreg:$0x1] =	wrdreg $0xFFFFFFFF  }
0xad: {  	[dreg:$0x0] =	wrdreg $0x60  }
0xae: {  	[dreg:$0x2] =	wrdreg s24  }
0xaf: {  	[dreg:$0x3] =	wrdreg s2  }
0xb0: {  	[dreg:$0x4] =	wrdreg $0x9  }
0xb1: {  	_ =	task.clear_ibuf [dreg:s7], $0x5FFFF;
	_ =	strace $0x90000049  }
0xb2: {  	s29 =	simm.s32 $0x9;
	_ =	strace $0x8000004B  }
0xb3: {  	_ =	swait.ge [sflag:s29], $0x1  }
0xb4: {  	[sflag:s29] =	ssyncadd.s32 $0xFFFFFFFF  }
0xb5: {  	_ =	strace $0x9000004B  }
0xb6: {  	_ =	sfence  }
0xb7: {  	s30 =	sld [smem:$0x0];
	_ =	sdelay $0x2  }
0xb8: {  	s31 =	sshll.u32 s1, $0xD;
	s1 =	sshrl.u32 s1, $0x2  }
0xb9: {  	s3 =	sand.u32 $0x4000, s31;
	s1 =	sadd.s32 s1, s30  }
0xba: {  	s0 =	sor.u32 s3, s0;
	s1 =	sshll.u32 s1, $0x11  }
0xbb: {  	s0 =	sor.u32 s1, s0  }
0xbc: {  	s0 =	sadd.s32 $0x8F2B, s0  }
0xbd: {  	[sflag:s0] =	ssyncadd.remote.s32 $0x1  }
0xbe: {  	_ =	sfence.sel $0xFFFF  }
0xbf: {  	[dreg:$0x0] =	wrdreg $0xFFFFFFFF;
	(pc) =	sbr.abs _section_cstart, $3  }
0xc0: {  	[dreg:$0x1] =	wrdreg $0xFFFFFFFF  }
0xc1: {  	_ =	task.clear_ibuf [dreg:s7], $0x2FFFF;
	_ =	strace $0x9FFFFFFF  }
0xc2: {  	(tm) =	ssettm $0x7FFFFFFF  }
0xc3: {  	_ =	shalt  }
tec
execute0_lowered:
.L_overlay_start_1:
0x0: {  	(tag) =	ssettag $0x1  }
0x1: {  	s0 =	rddreg [dreg:$0x0]  }
0x2: {  	s1 =	rddreg [dreg:$0x1];
	s2 =	simm.s32 $0x0  }
0x3: {  	s3 =	srdreg.scid;
	s5 =	stileid.u32;
	s21 =	simm.s32 $0x880  }
0x4: {  	s22 =	simm.s32 $0x1080;
	s23 =	simm.s32 $0x1880;
	s24 =	simm.s32 $0x2080  }
0x5: {  	s28 =	simm.s32 $0x3880;
	s29 =	simm.s32 $0x4080;
	s30 =	simm.s32 $0x4880  }
0x6: {  	s31 =	simm.s32 $0x5080;
	s19 =	simm.s32 $0x7080;
	[smem:$0x7FF] =	sst s2  }
0x7: {  	s4 =	sand.u32 $0x1, s3;
	s5 =	sshll.u32 s5, $0x4;
	s3 =	sadd.s32 $0xC00, s0  }
0x8: {  	s15 =	sadd.s32 $0x240C00, s0;
	s7 =	sadd.s32 $0x1000, s0;
	s8 =	sadd.s32 $0x1100, s0  }
0x9: {  	s9 =	sadd.s32 $0x1200, s0;
	s10 =	sadd.s32 $0x1300, s0;
	s11 =	sadd.s32 $0x1400, s0  }
0xa: {  	_ =	strace $0x8000004A;
	s6 =	sshll.u32 s4, $0x3;
	s4 =	ssub.s32 $0x2, s4  }
0xb: {  	s12 =	sor.u32 s6, s5;
	s25 =	sshrl.u32 s4, $0x1;
	s5 =	sadd.s32 $0xE00, s0  }
0xc: {  	s6 =	sadd.s32 s1, s12;
	s16 =	ssub.s32 s4, s25;
	s4 =	sadd.s32 $0xD00, s0  }
0xd: {  	s13 =	smul.u32 $0xC00, s12;
	s14 =	sor.u32 $0x4, s12;
	s12 =	sadd.s32 $0x1500, s0  }
0xe: {  	s25 =	simm.s32 $0x2880;
	[dreg:$0x3] =	wrdreg s6;
	s6 =	sadd.s32 $0xF00, s0  }
0xf: {  	s18 =	smul.u32 $0xC00, s14;
	s1 =	sadd.s32 s1, s14;
	s14 =	sadd.s32 $0x1700, s0  }
0x10: {  	s17 =	sadd.s32 s15, s13;
	s13 =	sadd.s32 $0x1600, s0;
	[dreg:$0x5] =	wrdreg s1  }
0x11: {  	v2 =	vlaneseq.u32;
	s0 =	simm.s32 $0x80;
	[dreg:$0x4] =	wrdreg s17;
	s26 =	sadd.s32 s15, s18  }
0x12: {  	vm0 =	vmmov $0xffff;
	v1 =	vshrl.u32 v2, $0x3;
	s15 =	smax.u32 s16, $0x1;
	s16 =	simm.s32 $0x1;
	s18 =	simm.s32 $0x6880  }
0x13: {  	v0 =	vand.u32 $0x7, v2;
	v2 =	vor.u32 $0x8, v2;
	v1 =	vmul.u32 $0x8, v1;
	s17 =	simm.s32 $0x7880;
	[dreg:$0x6] =	wrdreg s26;
	s26 =	simm.s32 $0x3080  }
.LBB2_1:
0x14: {  	s20 =	rddreg [dreg:$0x3]  }
0x15: {  	[tilespmem:s2], [sflag:$0x1] =	stream.linear.gather [hbm4b:s20+s2], $0x20, $0x38;
	[tilespmem:$0x18080] =	vst v63  }
0x16: {  	_ =	swait.ge [sflag:s16], $0x20  }
0x17: {  	[sflag:s16] =	ssyncset.done $0x0  }
0x18: {  	[sflag:s16] =	ssyncadd.s32 $0xFFFFFFE0  }
0x19: {  	v3 =	vld [tilespmem:$0x0];
	_ =	sdelay $0x4  }
0x1a: {  	v4 =	vshrl.u32 v3, $0x3  }
0x1b: {  	v4 =	vmul.u32 $0xC0, v4  }
0x1c: {  	v3 =	vand.u32 $0x7, v3  }
0x1d: {  	v3 =	vor.u32 v3, v4  }
0x1e: {  	v4 =	vperm.xlane v3, v0;
	_ =	sdelay $0x1  }
0x1f: {  	v4 =	vadd.s32 v1, v4;
	_ =	sdelay $0x4  }
0x20: {  	[tilespmem:s0], [sflag:$0x1] =	stream.indirect_vreg.gather [hbm4b:s3+s2], $0x80, v4, vm0, $0xb8;
	[tilespmem:$0x18080] =	vst v63  }
0x21: {  	_ = 	snop  }
0x22: {  	[tilespmem:s21], [sflag:$0x1] =	stream.indirect_vreg.gather [hbm4b:s4+s2], $0x80, v4, vm0, $0xb8;
	[tilespmem:$0x18080] =	vst v63  }
0x23: {  	_ = 	snop  }
0x24: {  	[tilespmem:s22], [sflag:$0x1] =	stream.indirect_vreg.gather [hbm4b:s5+s2], $0x80, v4, vm0, $0xb8;
	[tilespmem:$0x18080] =	vst v63  }
0x25: {  	_ = 	snop  }
0x26: {  	[tilespmem:s23], [sflag:$0x1] =	stream.indirect_vreg.gather [hbm4b:s6+s2], $0x80, v4, vm0, $0xb8;
	[tilespmem:$0x18080] =	vst v63  }
0x27: {  	_ = 	snop  }
0x28: {  	[tilespmem:s24], [sflag:$0x1] =	stream.indirect_vreg.gather [hbm4b:s7+s2], $0x80, v4, vm0, $0xb8;
	[tilespmem:$0x18080] =	vst v63  }
0x29: {  	_ = 	snop  }
0x2a: {  	[tilespmem:s25], [sflag:$0x1] =	stream.indirect_vreg.gather [hbm4b:s8+s2], $0x80, v4, vm0, $0xb8;
	[tilespmem:$0x18080] =	vst v63  }
0x2b: {  	_ = 	snop  }
0x2c: {  	[tilespmem:s26], [sflag:$0x1] =	stream.indirect_vreg.gather [hbm4b:s9+s2], $0x80, v4, vm0, $0xb8;
	[tilespmem:$0x18080] =	vst v63  }
0x2d: {  	_ = 	snop  }
0x2e: {  	[tilespmem:s28], [sflag:$0x1] =	stream.indirect_vreg.gather [hbm4b:s10+s2], $0x80, v4, vm0, $0xb8;
	[tilespmem:$0x18080] =	vst v63  }
0x2f: {  	_ = 	snop  }
0x30: {  	[tilespmem:s29], [sflag:$0x1] =	stream.indirect_vreg.gather [hbm4b:s11+s2], $0x80, v4, vm0, $0xb8;
	[tilespmem:$0x18080] =	vst v63  }
0x31: {  	v3 =	vperm.xlane v3, v2  }
0x32: {  	[tilespmem:s30], [sflag:$0x1] =	stream.indirect_vreg.gather [hbm4b:s12+s2], $0x80, v4, vm0, $0xb8;
	[tilespmem:$0x18080] =	vst v63  }
0x33: {  	v3 =	vadd.s32 v1, v3  }
0x34: {  	[tilespmem:s31], [sflag:$0x1] =	stream.indirect_vreg.gather [hbm4b:s13+s2], $0x80, v4, vm0, $0xb8;
	[tilespmem:$0x18080] =	vst v63  }
0x35: {  	s1 =	simm.s32 $0x5880  }
0x36: {  	[tilespmem:s1], [sflag:$0x1] =	stream.indirect_vreg.gather [hbm4b:s14+s2], $0x80, v4, vm0, $0xb8;
	[tilespmem:$0x18080] =	vst v63  }
0x37: {  	s1 =	simm.s32 $0x6080  }
0x38: {  	[tilespmem:s1], [sflag:$0x1] =	stream.indirect_vreg.gather [hbm4b:s3+s2], $0x80, v3, vm0, $0xb8;
	[tilespmem:$0x18080] =	vst v63  }
0x39: {  	_ = 	snop  }
0x3a: {  	[tilespmem:s18], [sflag:$0x1] =	stream.indirect_vreg.gather [hbm4b:s4+s2], $0x80, v3, vm0, $0xb8;
	[tilespmem:$0x18080] =	vst v63  }
0x3b: {  	_ = 	snop  }
0x3c: {  	[tilespmem:s19], [sflag:$0x1] =	stream.indirect_vreg.gather [hbm4b:s5+s2], $0x80, v3, vm0, $0xb8;
	[tilespmem:$0x18080] =	vst v63  }
0x3d: {  	_ = 	snop  }
0x3e: {  	[tilespmem:s17], [sflag:$0x1] =	stream.indirect_vreg.gather [hbm4b:s6+s2], $0x80, v3, vm0, $0xb8;
	[tilespmem:$0x18080] =	vst v63  }
0x3f: {  	s20 =	simm.s32 $0x8080  }
0x40: {  	[tilespmem:s20], [sflag:$0x1] =	stream.indirect_vreg.gather [hbm4b:s7+s2], $0x80, v3, vm0, $0xb8;
	[tilespmem:$0x18080] =	vst v63  }
0x41: {  	s20 =	simm.s32 $0x8880  }
0x42: {  	[tilespmem:s20], [sflag:$0x1] =	stream.indirect_vreg.gather [hbm4b:s8+s2], $0x80, v3, vm0, $0xb8;
	[tilespmem:$0x18080] =	vst v63  }
0x43: {  	s20 =	simm.s32 $0x9080  }
0x44: {  	[tilespmem:s20], [sflag:$0x1] =	stream.indirect_vreg.gather [hbm4b:s9+s2], $0x80, v3, vm0, $0xb8;
	[tilespmem:$0x18080] =	vst v63  }
0x45: {  	s20 =	simm.s32 $0x9880  }
0x46: {  	[tilespmem:s20], [sflag:$0x1] =	stream.indirect_vreg.gather [hbm4b:s10+s2], $0x80, v3, vm0, $0xb8;
	[tilespmem:$0x18080] =	vst v63  }
0x47: {  	s20 =	simm.s32 $0xA080  }
0x48: {  	[tilespmem:s20], [sflag:$0x1] =	stream.indirect_vreg.gather [hbm4b:s11+s2], $0x80, v3, vm0, $0xb8;
	[tilespmem:$0x18080] =	vst v63  }
0x49: {  	s20 =	simm.s32 $0xA880  }
0x4a: {  	[tilespmem:s20], [sflag:$0x1] =	stream.indirect_vreg.gather [hbm4b:s12+s2], $0x80, v3, vm0, $0xb8;
	[tilespmem:$0x18080] =	vst v63  }
0x4b: {  	s20 =	simm.s32 $0xB080  }
0x4c: {  	[tilespmem:s20], [sflag:$0x1] =	stream.indirect_vreg.gather [hbm4b:s13+s2], $0x80, v3, vm0, $0xb8;
	[tilespmem:$0x18080] =	vst v63  }
0x4d: {  	s20 =	simm.s32 $0xB880  }
0x4e: {  	[tilespmem:s20], [sflag:$0x1] =	stream.indirect_vreg.gather [hbm4b:s14+s2], $0x80, v3, vm0, $0xb8;
	[tilespmem:$0x18080] =	vst v63  }
0x4f: {  	v3 =	vld [tilespmem:$0x10];
	_ =	sdelay $0x4  }
0x50: {  	v61 =	vshrl.u32 v3, $0x3  }
0x51: {  	v4 =	vmul.u32 $0xC0, v61  }
0x52: {  	v3 =	vand.u32 $0x7, v3  }
0x53: {  	v3 =	vor.u32 v3, v4  }
0x54: {  	v4 =	vperm.xlane v3, v0;
	_ =	sdelay $0x1  }
0x55: {  	v4 =	vadd.s32 v1, v4;
	_ =	sdelay $0x3  }
0x56: {  	s20 =	simm.s32 $0xC080  }
0x57: {  	[tilespmem:s20], [sflag:$0x1] =	stream.indirect_vreg.gather [hbm4b:s3+s2], $0x80, v4, vm0, $0xb8;
	[tilespmem:$0x18080] =	vst v63  }
0x58: {  	s20 =	simm.s32 $0xC880  }
0x59: {  	[tilespmem:s20], [sflag:$0x1] =	stream.indirect_vreg.gather [hbm4b:s4+s2], $0x80, v4, vm0, $0xb8;
	[tilespmem:$0x18080] =	vst v63  }
0x5a: {  	s20 =	simm.s32 $0xD080  }
0x5b: {  	[tilespmem:s20], [sflag:$0x1] =	stream.indirect_vreg.gather [hbm4b:s5+s2], $0x80, v4, vm0, $0xb8;
	[tilespmem:$0x18080] =	vst v63  }
0x5c: {  	s20 =	simm.s32 $0xD880  }
0x5d: {  	[tilespmem:s20], [sflag:$0x1] =	stream.indirect_vreg.gather [hbm4b:s6+s2], $0x80, v4, vm0, $0xb8;
	[tilespmem:$0x18080] =	vst v63  }
0x5e: {  	s20 =	simm.s32 $0xE080  }
0x5f: {  	[tilespmem:s20], [sflag:$0x1] =	stream.indirect_vreg.gather [hbm4b:s7+s2], $0x80, v4, vm0, $0xb8;
	[tilespmem:$0x18080] =	vst v63  }
0x60: {  	s20 =	simm.s32 $0xE880  }
0x61: {  	[tilespmem:s20], [sflag:$0x1] =	stream.indirect_vreg.gather [hbm4b:s8+s2], $0x80, v4, vm0, $0xb8;
	[tilespmem:$0x18080] =	vst v63  }
0x62: {  	s20 =	simm.s32 $0xF080  }
0x63: {  	[tilespmem:s20], [sflag:$0x1] =	stream.indirect_vreg.gather [hbm4b:s9+s2], $0x80, v4, vm0, $0xb8;
	[tilespmem:$0x18080] =	vst v63  }
0x64: {  	s20 =	simm.s32 $0xF880  }
0x65: {  	[tilespmem:s20], [sflag:$0x1] =	stream.indirect_vreg.gather [hbm4b:s10+s2], $0x80, v4, vm0, $0xb8;
	[tilespmem:$0x18080] =	vst v63  }
0x66: {  	s20 =	simm.s32 $0x10080  }
0x67: {  	[tilespmem:s20], [sflag:$0x1] =	stream.indirect_vreg.gather [hbm4b:s11+s2], $0x80, v4, vm0, $0xb8;
	[tilespmem:$0x18080] =	vst v63  }
0x68: {  	v3 =	vperm.xlane v3, v2;
	s20 =	simm.s32 $0x10880  }
0x69: {  	[tilespmem:s20], [sflag:$0x1] =	stream.indirect_vreg.gather [hbm4b:s12+s2], $0x80, v4, vm0, $0xb8;
	[tilespmem:$0x18080] =	vst v63  }
0x6a: {  	v3 =	vadd.s32 v1, v3;
	s20 =	simm.s32 $0x11080  }
0x6b: {  	[tilespmem:s20], [sflag:$0x1] =	stream.indirect_vreg.gather [hbm4b:s13+s2], $0x80, v4, vm0, $0xb8;
	[tilespmem:$0x18080] =	vst v63  }
0x6c: {  	s20 =	simm.s32 $0x11880  }
0x6d: {  	[tilespmem:s20], [sflag:$0x1] =	stream.indirect_vreg.gather [hbm4b:s14+s2], $0x80, v4, vm0, $0xb8;
	[tilespmem:$0x18080] =	vst v63  }
0x6e: {  	s20 =	simm.s32 $0x12080  }
0x6f: {  	[tilespmem:s20], [sflag:$0x1] =	stream.indirect_vreg.gather [hbm4b:s3+s2], $0x80, v3, vm0, $0xb8;
	[tilespmem:$0x18080] =	vst v63  }
0x70: {  	s20 =	simm.s32 $0x12880  }
0x71: {  	[tilespmem:s20], [sflag:$0x1] =	stream.indirect_vreg.gather [hbm4b:s4+s2], $0x80, v3, vm0, $0xb8;
	[tilespmem:$0x18080] =	vst v63  }
0x72: {  	s20 =	simm.s32 $0x13080  }
0x73: {  	[tilespmem:s20], [sflag:$0x1] =	stream.indirect_vreg.gather [hbm4b:s5+s2], $0x80, v3, vm0, $0xb8;
	[tilespmem:$0x18080] =	vst v63  }
0x74: {  	s20 =	simm.s32 $0x13880  }
0x75: {  	[tilespmem:s20], [sflag:$0x1] =	stream.indirect_vreg.gather [hbm4b:s6+s2], $0x80, v3, vm0, $0xb8;
	[tilespmem:$0x18080] =	vst v63  }
0x76: {  	s20 =	simm.s32 $0x14080  }
0x77: {  	[tilespmem:s20], [sflag:$0x1] =	stream.indirect_vreg.gather [hbm4b:s7+s2], $0x80, v3, vm0, $0xb8;
	[tilespmem:$0x18080] =	vst v63  }
0x78: {  	s20 =	simm.s32 $0x14880  }
0x79: {  	[tilespmem:s20], [sflag:$0x1] =	stream.indirect_vreg.gather [hbm4b:s8+s2], $0x80, v3, vm0, $0xb8;
	[tilespmem:$0x18080] =	vst v63  }
0x7a: {  	s20 =	simm.s32 $0x15080  }
0x7b: {  	[tilespmem:s20], [sflag:$0x1] =	stream.indirect_vreg.gather [hbm4b:s9+s2], $0x80, v3, vm0, $0xb8;
	[tilespmem:$0x18080] =	vst v63  }
0x7c: {  	s20 =	simm.s32 $0x15880  }
0x7d: {  	[tilespmem:s20], [sflag:$0x1] =	stream.indirect_vreg.gather [hbm4b:s10+s2], $0x80, v3, vm0, $0xb8;
	[tilespmem:$0x18080] =	vst v63  }
0x7e: {  	s20 =	simm.s32 $0x16080  }
0x7f: {  	[tilespmem:s20], [sflag:$0x1] =	stream.indirect_vreg.gather [hbm4b:s11+s2], $0x80, v3, vm0, $0xb8;
	[tilespmem:$0x18080] =	vst v63  }
0x80: {  	s20 =	simm.s32 $0x16880  }
0x81: {  	[tilespmem:s20], [sflag:$0x1] =	stream.indirect_vreg.gather [hbm4b:s12+s2], $0x80, v3, vm0, $0xb8;
	[tilespmem:$0x18080] =	vst v63  }
0x82: {  	s20 =	simm.s32 $0x17080  }
0x83: {  	[tilespmem:s20], [sflag:$0x1] =	stream.indirect_vreg.gather [hbm4b:s13+s2], $0x80, v3, vm0, $0xb8;
	[tilespmem:$0x18080] =	vst v63  }
0x84: {  	s20 =	simm.s32 $0x17880  }
0x85: {  	[tilespmem:s20], [sflag:$0x1] =	stream.indirect_vreg.gather [hbm4b:s14+s2], $0x80, v3, vm0, $0xb8;
	[tilespmem:$0x18080] =	vst v63  }
0x86: {  	_ =	swait.ge [sflag:s16], $0x18000  }
0x87: {  	[sflag:s16] =	ssyncset.done $0x0  }
0x88: {  	s20 =	rddreg [dreg:$0x4];
	[sflag:s16] =	ssyncadd.s32 $0xFFFE8000  }
0x89: {  	[hbm4b:s20+s2] =	stream.linear.scatter [tilespmem:s0], [sflag:$0x1], $0x18000, $0x38;
	[tilespmem:$0x18080] =	vst v63  }
0x8a: {  	_ =	swait.ge [sflag:s16], $0x18000  }
0x8b: {  	[sflag:s16] =	ssyncset.done $0x0  }
0x8c: {  	s20 =	rddreg [dreg:$0x5];
	[sflag:s16] =	ssyncadd.s32 $0xFFFE8000  }
0x8d: {  	[tilespmem:s2], [sflag:$0x1] =	stream.linear.gather [hbm4b:s20+s2], $0x20, $0x38;
	[tilespmem:$0x18080] =	vst v63  }
0x8e: {  	_ =	swait.ge [sflag:s16], $0x20  }
0x8f: {  	[sflag:s16] =	ssyncset.done $0x0  }
0x90: {  	[sflag:s16] =	ssyncadd.s32 $0xFFFFFFE0  }
0x91: {  	v3 =	vld [tilespmem:$0x0];
	_ =	sdelay $0x4  }
0x92: {  	v62 =	vshrl.u32 v3, $0x3  }
0x93: {  	v4 =	vmul.u32 $0xC0, v62  }
0x94: {  	v3 =	vand.u32 $0x7, v3  }
0x95: {  	v3 =	vor.u32 v3, v4  }
0x96: {  	v4 =	vperm.xlane v3, v0;
	_ =	sdelay $0x1  }
0x97: {  	v4 =	vadd.s32 v1, v4;
	_ =	sdelay $0x4  }
0x98: {  	[tilespmem:s0], [sflag:$0x1] =	stream.indirect_vreg.gather [hbm4b:s3+s2], $0x80, v4, vm0, $0xb8;
	[tilespmem:$0x18080] =	vst v63  }
0x99: {  	_ = 	snop  }
0x9a: {  	[tilespmem:s21], [sflag:$0x1] =	stream.indirect_vreg.gather [hbm4b:s4+s2], $0x80, v4, vm0, $0xb8;
	[tilespmem:$0x18080] =	vst v63  }
0x9b: {  	_ = 	snop  }
0x9c: {  	[tilespmem:s22], [sflag:$0x1] =	stream.indirect_vreg.gather [hbm4b:s5+s2], $0x80, v4, vm0, $0xb8;
	[tilespmem:$0x18080] =	vst v63  }
0x9d: {  	_ = 	snop  }
0x9e: {  	[tilespmem:s23], [sflag:$0x1] =	stream.indirect_vreg.gather [hbm4b:s6+s2], $0x80, v4, vm0, $0xb8;
	[tilespmem:$0x18080] =	vst v63  }
0x9f: {  	_ = 	snop  }
0xa0: {  	[tilespmem:s24], [sflag:$0x1] =	stream.indirect_vreg.gather [hbm4b:s7+s2], $0x80, v4, vm0, $0xb8;
	[tilespmem:$0x18080] =	vst v63  }
0xa1: {  	_ = 	snop  }
0xa2: {  	[tilespmem:s25], [sflag:$0x1] =	stream.indirect_vreg.gather [hbm4b:s8+s2], $0x80, v4, vm0, $0xb8;
	[tilespmem:$0x18080] =	vst v63  }
0xa3: {  	_ = 	snop  }
0xa4: {  	[tilespmem:s26], [sflag:$0x1] =	stream.indirect_vreg.gather [hbm4b:s9+s2], $0x80, v4, vm0, $0xb8;
	[tilespmem:$0x18080] =	vst v63  }
0xa5: {  	_ = 	snop  }
0xa6: {  	[tilespmem:s28], [sflag:$0x1] =	stream.indirect_vreg.gather [hbm4b:s10+s2], $0x80, v4, vm0, $0xb8;
	[tilespmem:$0x18080] =	vst v63  }
0xa7: {  	_ = 	snop  }
0xa8: {  	[tilespmem:s29], [sflag:$0x1] =	stream.indirect_vreg.gather [hbm4b:s11+s2], $0x80, v4, vm0, $0xb8;
	[tilespmem:$0x18080] =	vst v63  }
0xa9: {  	v3 =	vperm.xlane v3, v2  }
0xaa: {  	[tilespmem:s30], [sflag:$0x1] =	stream.indirect_vreg.gather [hbm4b:s12+s2], $0x80, v4, vm0, $0xb8;
	[tilespmem:$0x18080] =	vst v63  }
0xab: {  	v3 =	vadd.s32 v1, v3  }
0xac: {  	[tilespmem:s31], [sflag:$0x1] =	stream.indirect_vreg.gather [hbm4b:s13+s2], $0x80, v4, vm0, $0xb8;
	[tilespmem:$0x18080] =	vst v63  }
0xad: {  	s20 =	simm.s32 $0x5880  }
0xae: {  	[tilespmem:s20], [sflag:$0x1] =	stream.indirect_vreg.gather [hbm4b:s14+s2], $0x80, v4, vm0, $0xb8;
	[tilespmem:$0x18080] =	vst v63  }
0xaf: {  	_ = 	snop  }
0xb0: {  	[tilespmem:s1], [sflag:$0x1] =	stream.indirect_vreg.gather [hbm4b:s3+s2], $0x80, v3, vm0, $0xb8;
	[tilespmem:$0x18080] =	vst v63  }
0xb1: {  	_ = 	snop  }
0xb2: {  	[tilespmem:s18], [sflag:$0x1] =	stream.indirect_vreg.gather [hbm4b:s4+s2], $0x80, v3, vm0, $0xb8;
	[tilespmem:$0x18080] =	vst v63  }
0xb3: {  	_ = 	snop  }
0xb4: {  	[tilespmem:s19], [sflag:$0x1] =	stream.indirect_vreg.gather [hbm4b:s5+s2], $0x80, v3, vm0, $0xb8;
	[tilespmem:$0x18080] =	vst v63  }
0xb5: {  	_ = 	snop  }
0xb6: {  	[tilespmem:s17], [sflag:$0x1] =	stream.indirect_vreg.gather [hbm4b:s6+s2], $0x80, v3, vm0, $0xb8;
	[tilespmem:$0x18080] =	vst v63  }
0xb7: {  	s20 =	simm.s32 $0x8080  }
0xb8: {  	[tilespmem:s20], [sflag:$0x1] =	stream.indirect_vreg.gather [hbm4b:s7+s2], $0x80, v3, vm0, $0xb8;
	[tilespmem:$0x18080] =	vst v63  }
0xb9: {  	s20 =	simm.s32 $0x8880  }
0xba: {  	[tilespmem:s20], [sflag:$0x1] =	stream.indirect_vreg.gather [hbm4b:s8+s2], $0x80, v3, vm0, $0xb8;
	[tilespmem:$0x18080] =	vst v63  }
0xbb: {  	s20 =	simm.s32 $0x9080  }
0xbc: {  	[tilespmem:s20], [sflag:$0x1] =	stream.indirect_vreg.gather [hbm4b:s9+s2], $0x80, v3, vm0, $0xb8;
	[tilespmem:$0x18080] =	vst v63  }
0xbd: {  	s20 =	simm.s32 $0x9880  }
0xbe: {  	[tilespmem:s20], [sflag:$0x1] =	stream.indirect_vreg.gather [hbm4b:s10+s2], $0x80, v3, vm0, $0xb8;
	[tilespmem:$0x18080] =	vst v63  }
0xbf: {  	s20 =	simm.s32 $0xA080  }
0xc0: {  	[tilespmem:s20], [sflag:$0x1] =	stream.indirect_vreg.gather [hbm4b:s11+s2], $0x80, v3, vm0, $0xb8;
	[tilespmem:$0x18080] =	vst v63  }
0xc1: {  	s20 =	simm.s32 $0xA880  }
0xc2: {  	[tilespmem:s20], [sflag:$0x1] =	stream.indirect_vreg.gather [hbm4b:s12+s2], $0x80, v3, vm0, $0xb8;
	[tilespmem:$0x18080] =	vst v63  }
0xc3: {  	s20 =	simm.s32 $0xB080  }
0xc4: {  	[tilespmem:s20], [sflag:$0x1] =	stream.indirect_vreg.gather [hbm4b:s13+s2], $0x80, v3, vm0, $0xb8;
	[tilespmem:$0x18080] =	vst v63  }
0xc5: {  	s20 =	simm.s32 $0xB880  }
0xc6: {  	[tilespmem:s20], [sflag:$0x1] =	stream.indirect_vreg.gather [hbm4b:s14+s2], $0x80, v3, vm0, $0xb8;
	[tilespmem:$0x18080] =	vst v63  }
0xc7: {  	v3 =	vld [tilespmem:$0x10];
	_ =	sdelay $0x4  }
0xc8: {  	v63 =	vshrl.u32 v3, $0x3  }
0xc9: {  	v4 =	vmul.u32 $0xC0, v63  }
0xca: {  	v3 =	vand.u32 $0x7, v3  }
0xcb: {  	v3 =	vor.u32 v3, v4  }
0xcc: {  	v4 =	vperm.xlane v3, v0;
	_ =	sdelay $0x1  }
0xcd: {  	v4 =	vadd.s32 v1, v4;
	_ =	sdelay $0x3  }
0xce: {  	s20 =	simm.s32 $0xC080  }
0xcf: {  	[tilespmem:s20], [sflag:$0x1] =	stream.indirect_vreg.gather [hbm4b:s3+s2], $0x80, v4, vm0, $0xb8;
	[tilespmem:$0x18080] =	vst v63  }
0xd0: {  	s20 =	simm.s32 $0xC880  }
0xd1: {  	[tilespmem:s20], [sflag:$0x1] =	stream.indirect_vreg.gather [hbm4b:s4+s2], $0x80, v4, vm0, $0xb8;
	[tilespmem:$0x18080] =	vst v63  }
0xd2: {  	s20 =	simm.s32 $0xD080  }
0xd3: {  	[tilespmem:s20], [sflag:$0x1] =	stream.indirect_vreg.gather [hbm4b:s5+s2], $0x80, v4, vm0, $0xb8;
	[tilespmem:$0x18080] =	vst v63  }
0xd4: {  	s20 =	simm.s32 $0xD880  }
0xd5: {  	[tilespmem:s20], [sflag:$0x1] =	stream.indirect_vreg.gather [hbm4b:s6+s2], $0x80, v4, vm0, $0xb8;
	[tilespmem:$0x18080] =	vst v63  }
0xd6: {  	s20 =	simm.s32 $0xE080  }
0xd7: {  	[tilespmem:s20], [sflag:$0x1] =	stream.indirect_vreg.gather [hbm4b:s7+s2], $0x80, v4, vm0, $0xb8;
	[tilespmem:$0x18080] =	vst v63  }
0xd8: {  	s20 =	simm.s32 $0xE880  }
0xd9: {  	[tilespmem:s20], [sflag:$0x1] =	stream.indirect_vreg.gather [hbm4b:s8+s2], $0x80, v4, vm0, $0xb8;
	[tilespmem:$0x18080] =	vst v63  }
0xda: {  	s20 =	simm.s32 $0xF080  }
0xdb: {  	[tilespmem:s20], [sflag:$0x1] =	stream.indirect_vreg.gather [hbm4b:s9+s2], $0x80, v4, vm0, $0xb8;
	[tilespmem:$0x18080] =	vst v63  }
0xdc: {  	s20 =	simm.s32 $0xF880  }
0xdd: {  	[tilespmem:s20], [sflag:$0x1] =	stream.indirect_vreg.gather [hbm4b:s10+s2], $0x80, v4, vm0, $0xb8;
	[tilespmem:$0x18080] =	vst v63  }
0xde: {  	s20 =	simm.s32 $0x10080  }
0xdf: {  	[tilespmem:s20], [sflag:$0x1] =	stream.indirect_vreg.gather [hbm4b:s11+s2], $0x80, v4, vm0, $0xb8;
	[tilespmem:$0x18080] =	vst v63  }
0xe0: {  	v3 =	vperm.xlane v3, v2;
	s20 =	simm.s32 $0x10880  }
0xe1: {  	[tilespmem:s20], [sflag:$0x1] =	stream.indirect_vreg.gather [hbm4b:s12+s2], $0x80, v4, vm0, $0xb8;
	[tilespmem:$0x18080] =	vst v63  }
0xe2: {  	v3 =	vadd.s32 v1, v3;
	s20 =	simm.s32 $0x11080  }
0xe3: {  	[tilespmem:s20], [sflag:$0x1] =	stream.indirect_vreg.gather [hbm4b:s13+s2], $0x80, v4, vm0, $0xb8;
	[tilespmem:$0x18080] =	vst v63  }
0xe4: {  	s20 =	simm.s32 $0x11880  }
0xe5: {  	[tilespmem:s20], [sflag:$0x1] =	stream.indirect_vreg.gather [hbm4b:s14+s2], $0x80, v4, vm0, $0xb8;
	[tilespmem:$0x18080] =	vst v63  }
0xe6: {  	s20 =	simm.s32 $0x12080  }
0xe7: {  	[tilespmem:s20], [sflag:$0x1] =	stream.indirect_vreg.gather [hbm4b:s3+s2], $0x80, v3, vm0, $0xb8;
	[tilespmem:$0x18080] =	vst v63  }
0xe8: {  	s20 =	simm.s32 $0x12880  }
0xe9: {  	[tilespmem:s20], [sflag:$0x1] =	stream.indirect_vreg.gather [hbm4b:s4+s2], $0x80, v3, vm0, $0xb8;
	[tilespmem:$0x18080] =	vst v63  }
0xea: {  	s20 =	simm.s32 $0x13080  }
0xeb: {  	[tilespmem:s20], [sflag:$0x1] =	stream.indirect_vreg.gather [hbm4b:s5+s2], $0x80, v3, vm0, $0xb8;
	[tilespmem:$0x18080] =	vst v63  }
0xec: {  	s20 =	simm.s32 $0x13880  }
0xed: {  	[tilespmem:s20], [sflag:$0x1] =	stream.indirect_vreg.gather [hbm4b:s6+s2], $0x80, v3, vm0, $0xb8;
	[tilespmem:$0x18080] =	vst v63  }
0xee: {  	s20 =	simm.s32 $0x14080  }
0xef: {  	[tilespmem:s20], [sflag:$0x1] =	stream.indirect_vreg.gather [hbm4b:s7+s2], $0x80, v3, vm0, $0xb8;
	[tilespmem:$0x18080] =	vst v63  }
0xf0: {  	s20 =	simm.s32 $0x14880  }
0xf1: {  	[tilespmem:s20], [sflag:$0x1] =	stream.indirect_vreg.gather [hbm4b:s8+s2], $0x80, v3, vm0, $0xb8;
	[tilespmem:$0x18080] =	vst v63  }
0xf2: {  	s20 =	simm.s32 $0x15080  }
0xf3: {  	[tilespmem:s20], [sflag:$0x1] =	stream.indirect_vreg.gather [hbm4b:s9+s2], $0x80, v3, vm0, $0xb8;
	[tilespmem:$0x18080] =	vst v63  }
0xf4: {  	s20 =	simm.s32 $0x15880  }
0xf5: {  	[tilespmem:s20], [sflag:$0x1] =	stream.indirect_vreg.gather [hbm4b:s10+s2], $0x80, v3, vm0, $0xb8;
	[tilespmem:$0x18080] =	vst v63  }
0xf6: {  	s20 =	simm.s32 $0x16080  }
0xf7: {  	[tilespmem:s20], [sflag:$0x1] =	stream.indirect_vreg.gather [hbm4b:s11+s2], $0x80, v3, vm0, $0xb8;
	[tilespmem:$0x18080] =	vst v63  }
0xf8: {  	s20 =	simm.s32 $0x16880  }
0xf9: {  	[tilespmem:s20], [sflag:$0x1] =	stream.indirect_vreg.gather [hbm4b:s12+s2], $0x80, v3, vm0, $0xb8;
	[tilespmem:$0x18080] =	vst v63  }
0xfa: {  	s20 =	simm.s32 $0x17080  }
0xfb: {  	[tilespmem:s20], [sflag:$0x1] =	stream.indirect_vreg.gather [hbm4b:s13+s2], $0x80, v3, vm0, $0xb8;
	[tilespmem:$0x18080] =	vst v63  }
0xfc: {  	s20 =	simm.s32 $0x17880  }
0xfd: {  	[tilespmem:s20], [sflag:$0x1] =	stream.indirect_vreg.gather [hbm4b:s14+s2], $0x80, v3, vm0, $0xb8;
	[tilespmem:$0x18080] =	vst v63  }
0xfe: {  	_ =	swait.ge [sflag:s16], $0x18000  }
0xff: {  	p0 =	sne.s32 s15, $0x1;
	[sflag:s16] =	ssyncset.done $0x0  }
.Ltmp0:
0x100: {  	s1 =	rddreg [dreg:$0x6];
	[sflag:s16] =	ssyncadd.s32 $0xFFFE8000;
	(pc) =	sbr.rel @p0 .LBB2_1-.Ltmp0, $4  }
0x101: {  	[hbm4b:s1+s2] =	stream.linear.scatter [tilespmem:s0], [sflag:$0x1], $0x18000, $0x38;
	[tilespmem:$0x18080] =	vst v63  }
0x102: {  	_ =	swait.ge [sflag:s16], $0x18000  }
0x103: {  	[sflag:s16] =	ssyncset.done $0x0  }
0x104: {  	s15 =	sadd.s32 $0xFFFFFFFF, s15;
	[sflag:s16] =	ssyncadd.s32 $0xFFFE8000  }
0x105: {  	_ =	sfence.sel $0x180000  }
0x106: {  	[bflag:$0x0] =	sbarrier.arrive $0xFFFF  }
0x107: {  	_ =	strace $0x9000004A  }
0x108: {  	s0 =	stileid.u32;
	[bflag:$0x2] =	sbarrier.arrive $0xFFFF  }
0x109: {  	p0 =	sne.s32 s0, $0x0;
	s0 =	rddreg [dreg:$0x2]  }
0x10a: {  	s0 =	sadd.s32 @!p0 $0x100000, s0  }
0x10b: {  	[sflag:s0] =	ssyncadd.tile.s32 @!p0 $0x1;
	_ =	shalt  }
.Lfunc_end2:
_tile_overlayer_lowered:
.L_overlay_start_2:
0x10c: {  	(tag) =	ssettag $0x2  }
0x10d: {  	s0 =	rddreg [dreg:$0x0];
	s2 =	stileid.u32  }
0x10e: {  	s1 =	rddreg [dreg:$0x1];
	p0 =	sne.s32 s2, $0x0  }
0x10f: {  	s3 =	rddreg [dreg:$0x2];
	[bflag:$0x3] =	sbarrier.arrive $0xFFFF;
	s2 =	simm.s32 @!p0 $0x1C01  }
0x110: {  	[timem:s3], [sflag:s2] =	dma.local @!p0 [hbm:s0], s1  }
0x111: {  	s0 =	simm.s32 @!p0 $0x1  }
0x112: {  	_ =	swait.ge @!p0 [sflag:s0], s1  }
0x113: {  	s1 =	ssub.s32 @!p0 $0x0, s1;
	[sflag:s0] =	ssyncset.done @!p0 $0x0  }
0x114: {  	[sflag:s0] =	ssyncadd.s32 @!p0 s1  }
0x115: {  	[bflag:$0x3] =	sbarrier.arrive $0xFFFF  }
0x116: {  	_ =	shalt  }

// kernel: kernel.7.cloned.1.call-start
scs
__scs_entry_jumppad:
0x0: {  	(pc) =	sbr.rel $0x88, $3  }
0x1: {  	(tag) =	ssettag $0x0;
	lr =	simm.s32 $0x1  }
0x2: {  	[smem:$0x3F99] =	sst lr;
	_ =	strace $0xD0000000  }
0x3: {  	_ = 	snop  }
0x4: {  	_ = 	snop  }
0x5: {  	_ = 	snop  }
0x6: {  	_ = 	snop  }
0x7: {  	_ = 	snop  }
__scs_overlays_trampoline_lowered:
0x8: {  	[smem:$0x3FA8] =	sst s0  }
0x9: {  	[smem:$0x3FA9] =	sst s1  }
0xa: {  	[smem:$0x3FAA] =	sst s2  }
0xb: {  	[smem:$0x3FAB] =	sst s3  }
0xc: {  	[smem:$0x3FAC] =	sst s4  }
0xd: {  	[smem:$0x3FAD] =	sst s5  }
0xe: {  	[smem:$0x3FAE] =	sst s6  }
0xf: {  	[smem:$0x3FAF] =	sst s7  }
0x10: {  	[smem:$0x3FB0] =	sst s8  }
0x11: {  	[smem:$0x3FB1] =	sst s9;
	s0 =	simm.s32 @!p0 $0x0  }
0x12: {  	s1 =	sld [smem:$0x3F97];
	s0 =	simm.s32 @p0 $0x1  }
0x13: {  	[smem:$0x3FB2] =	sst s0;
	s0 =	simm.s32 @!p1 $0x0  }
0x14: {  	s2 =	sld [smem:$0x3F96];
	s0 =	simm.s32 @p1 $0x1  }
0x15: {  	[smem:$0x3FB3] =	sst s0;
	s0 =	simm.s32 @!p2 $0x0  }
0x16: {  	s3 =	sld [smem:$0x3FDB];
	s0 =	simm.s32 @p2 $0x1  }
0x17: {  	s4 =	simm.s32 $0x1BF5;
	[smem:$0x3FB5] =	sst s0  }
0x18: {  	s0 =	sld [smem:$0x3F98];
	_ =	swait.ge [sflag:s4], $0x0  }
0x19: {  	s7 =	sld [smem:$0x3F99]  }
0x1a: {  	s8 =	sadd.s32 $0xFFFFE003, lr  }
0x1b: {  	s9 =	sadd.s32 $0xFFFFFEF7, lr;
	s5 =	simm.s32 $0xFFFFFFFF;
	p2 =	slt.u32 s8, $0xFFFFF086  }
0x1c: {  	p1 =	slt.u32 s9, $0xF7A;
	s5 =	simm.s32 @!p2 $0x0  }
0x1d: {  	s5 =	simm.s32 @p1 $0x1;
	p0 =	seq.s32 s7, s2  }
0x1e: {  	s7 =	smul.u32 @!p0 $0xF7A, s2;
	p2 =	seq.s32 @!p0 s5, $0x0  }
0x1f: {  	s9 =	smul.u32 $0xF7A, s1;
	s8 =	simm.s32 @!p0 $0x1BF5;
	p2 =	por !p2, p0  }
0x20: {  	[sflag:s8] =	ssyncset.s32 @!p0 $0xFFFFF086;
	s6 =	sadd.s32 @!p0 s3, s7;
	s7 =	simm.s32 @!p0 $0x108  }
0x21: {  	s3 =	sadd.s32 s3, s9;
	s6 =	sadd.s32 @!p0 $0x88, s6;
	s7 =	simm.s32 @p2 $0x1082  }
0x22: {  	[simem:s7], [sflag:s8] =	dma.local @!p0 [hbm:s6], $0xF7A  }
0x23: {  	s9 =	sor.u32 $0xD0000000, s2;
	s6 =	simm.s32 $0x108;
	_ =	swait.ge @!p0 [sflag:s8], $0x0  }
0x24: {  	s3 =	sadd.s32 $0x88, s3;
	s6 =	simm.s32 @!p1 $0x1082;
	[sflag:s4] =	ssyncset.s32 $0xFFFFF086  }
0x25: {  	[simem:s6], [sflag:s4] =	dma.local [hbm:s3], $0xF7A  }
0x26: {  	[smem:$0x3F99] =	sst s1;
	(tag) =	ssettag s2;
	_ =	strace s9  }
0x27: {  	s1 =	sld [smem:$0x3FA9]  }
0x28: {  	s2 =	sld [smem:$0x3FAA]  }
0x29: {  	s4 =	sld [smem:$0x3FAC]  }
0x2a: {  	p0 =	seq.s32 s5, $0x0;
	s5 =	sld [smem:$0x3FAD]  }
0x2b: {  	s6 =	sld [smem:$0x3FAE]  }
0x2c: {  	s7 =	sld [smem:$0x3FAF]  }
0x2d: {  	s3 =	simm.s32 $0x108;
	s8 =	sld [smem:$0x3FB0]  }
0x2e: {  	s3 =	simm.s32 @!p0 $0x1082;
	s9 =	sld [smem:$0x3FB1]  }
0x2f: {  	lr =	sadd.s32 s0, s3;
	s0 =	sld [smem:$0x3FA8]  }
0x30: {  	s3 =	sld [smem:$0x3FAB]  }
0x31: {  	[smem:$0x3FB4] =	sst s10  }
0x32: {  	s10 =	sld [smem:$0x3FB2];
	_ =	sdelay $0x3  }
0x33: {  	p0 =	seq.s32 s10, $0x1;
	s10 =	sld [smem:$0x3FB4];
	_ =	sdelay $0x3  }
0x34: {  	[smem:$0x3FB4] =	sst s10  }
0x35: {  	s10 =	sld [smem:$0x3FB3];
	_ =	sdelay $0x3  }
0x36: {  	p1 =	seq.s32 s10, $0x1;
	s10 =	sld [smem:$0x3FB4];
	_ =	sdelay $0x3  }
0x37: {  	[smem:$0x3FB4] =	sst s10  }
0x38: {  	s10 =	sld [smem:$0x3FB5]  }
0x39: {  	_ = 	snop;
	(pc) =	sbr.ind lr, $3  }
0x3a: {  	_ = 	snop  }
0x3b: {  	_ = 	snop  }
0x3c: {  	p2 =	seq.s32 s10, $0x1;
	s10 =	sld [smem:$0x3FB4]  }
0x3d: {  	_ =	shalt  }
0x3e: {  	_ =	shalt  }
0x3f: {  	_ =	shalt  }
0x40: {  	_ =	shalt  }
0x41: {  	_ =	shalt  }
0x42: {  	_ =	shalt  }
0x43: {  	_ =	shalt  }
0x44: {  	_ =	shalt  }
0x45: {  	_ =	shalt  }
0x46: {  	_ =	shalt  }
0x47: {  	_ =	shalt  }
0x48: {  	_ =	shalt  }
0x49: {  	_ =	shalt  }
0x4a: {  	_ =	shalt  }
0x4b: {  	_ =	shalt  }
0x4c: {  	_ =	shalt  }
0x4d: {  	_ =	shalt  }
0x4e: {  	_ =	shalt  }
0x4f: {  	_ =	shalt  }
0x50: {  	_ =	shalt  }
0x51: {  	_ =	shalt  }
0x52: {  	_ =	shalt  }
0x53: {  	_ =	shalt  }
0x54: {  	_ =	shalt  }
0x55: {  	_ =	shalt  }
0x56: {  	_ =	shalt  }
0x57: {  	_ =	shalt  }
0x58: {  	_ =	shalt  }
0x59: {  	_ =	shalt  }
0x5a: {  	_ =	shalt  }
0x5b: {  	_ =	shalt  }
0x5c: {  	_ =	shalt  }
0x5d: {  	_ =	shalt  }
0x5e: {  	_ =	shalt  }
0x5f: {  	_ =	shalt  }
0x60: {  	_ =	shalt  }
0x61: {  	_ =	shalt  }
0x62: {  	_ =	shalt  }
0x63: {  	_ =	shalt  }
0x64: {  	_ =	shalt  }
0x65: {  	_ =	shalt  }
0x66: {  	_ =	shalt  }
0x67: {  	_ =	shalt  }
0x68: {  	_ =	shalt  }
0x69: {  	_ =	shalt  }
0x6a: {  	_ =	shalt  }
0x6b: {  	_ =	shalt  }
0x6c: {  	_ =	shalt  }
0x6d: {  	_ =	shalt  }
0x6e: {  	_ =	shalt  }
0x6f: {  	_ =	shalt  }
0x70: {  	_ =	shalt  }
0x71: {  	_ =	shalt  }
0x72: {  	_ =	shalt  }
0x73: {  	_ =	shalt  }
0x74: {  	_ =	shalt  }
0x75: {  	_ =	shalt  }
0x76: {  	_ =	shalt  }
0x77: {  	_ =	shalt  }
0x78: {  	_ =	shalt  }
0x79: {  	_ =	shalt  }
0x7a: {  	_ =	shalt  }
0x7b: {  	_ =	shalt  }
0x7c: {  	_ =	shalt  }
0x7d: {  	_ =	shalt  }
0x7e: {  	_ =	shalt  }
0x7f: {  	_ =	shalt  }
0x80: {  	_ =	shalt  }
0x81: {  	_ =	shalt  }
0x82: {  	_ =	shalt  }
0x83: {  	_ =	shalt  }
0x84: {  	_ =	shalt  }
0x85: {  	_ =	shalt  }
0x86: {  	_ =	shalt  }
0x87: {  	_ =	shalt  }
.Lfunc_end0:
.L_simem_size_0:
called_computation_lowered:
.L_overlay_start_0:
0x88: {  	s2 =	sld [smem:$0x3FD9]  }
0x89: {  	s3 =	sld [smem:$0x3FFE];
	_ =	sdelay $0x1  }
0x8a: {  	s1 =	srdreg.scid  }
0x8b: {  	s0 =	sand.u32 $0x1, s1  }
0x8c: {  	s17 =	sshll.u32 s0, $0xA;
	s2 =	sadd.s32 s3, s2  }
0x8d: {  	s2 =	sadd.s32 s2, s17  }
0x8e: {  	[smem:$0x3FC0] =	sst s2  }
0x8f: {  	_ = 	snop  }
0x90: {  	s2 =	sld [smem:$0x3FC9]  }
0x91: {  	s18 =	sld [smem:$0x3FD0];
	(tm) =	ssettm $0x1  }
0x92: {  	s4 =	sld [smem:$0x3FFB];
	_ =	sdelay $0x3  }
0x93: {  	_ =	strace s4  }
0x94: {  	s4 =	sld [smem:$0x3FFC];
	_ =	sdelay $0x3  }
0x95: {  	_ =	strace s4  }
0x96: {  	s4 =	sld [smem:$0x3FFD];
	_ =	sdelay $0x3  }
0x97: {  	_ =	strace s4  }
0x98: {  	_ =	strace $0x8FFFFFFF  }
0x99: {  	s19 =	sld [smem:$0x3FDB];
	_ =	sdelay $0x1  }
0x9a: {  	s5 =	simm.s32 $_scs_section_size  }
0x9b: {  	s6 =	simm.s32 $_size__tile_overlayer_lowered;
	s7 =	simm.s32 $_tile_overlayer_lowered  }
0x9c: {  	s22 =	simm.s32 $0x1BFF;
	s21 =	sshll.u32 s7, $0x1;
	s4 =	sadd.s32 s5, s19  }
0x9d: {  	s8 =	simm.s32 $0x0;
	s20 =	sshll.u32 s6, $0x1;
	s6 =	sadd.s32 s21, s4  }
0x9e: {  	[timem:s8], [sflag:s22] =	dma.local [hbm:s6], s20  }
0x9f: {  	_ =	swait.ge [sflag:s22], s20  }
0xa0: {  	s5 =	ssub.s32 $0x0, s20;
	[sflag:s22] =	ssyncset.done $0x0  }
0xa1: {  	[sflag:s22] =	ssyncadd.s32 s5;
	_ =	sdelay $0x1  }
0xa2: {  	s23 =	simm.s32 $0x1B8B  }
0xa3: {  	_ =	swait.ge [sflag:s23], $0x1  }
0xa4: {  	[sflag:s23] =	ssyncset.done $0x0  }
0xa5: {  	s25 =	simm.s32 $0x1B8E;
	s24 =	sld [smem:$0x3FFE];
	[sflag:s23] =	ssyncadd.s32 $0xFFFFFFFF  }
0xa6: {  	s26 =	simm.s32 $execute0_lowered;
	[smem:$0x3FD2] =	sst s25  }
0xa7: {  	s6 =	sshll.u32 s26, $0x1;
	_ =	strace $0x80000046;
	[dreg:$0x1] =	wrdreg $0xFFFFFFFF  }
0xa8: {  	s28 =	simm.s32 $_size_execute0_lowered;
	s4 =	sadd.s32 s4, s6;
	[dreg:$0x0] =	wrdreg $0x0  }
0xa9: {  	s6 =	sshll.u32 s28, $0x1;
	[dreg:$0x2] =	wrdreg s4  }
0xaa: {  	[dreg:$0x3] =	wrdreg s6  }
0xab: {  	[dreg:$0x4] =	wrdreg $0xC0  }
0xac: {  	_ =	task [dreg:s8], $0x5FFFF  }
0xad: {  	[dreg:$0x1] =	wrdreg $0xFFFFFFFF  }
0xae: {  	[dreg:$0x0] =	wrdreg $0x60  }
0xaf: {  	[dreg:$0x2] =	wrdreg s2  }
0xb0: {  	[dreg:$0x3] =	wrdreg s18  }
0xb1: {  	[dreg:$0x4] =	wrdreg s24  }
0xb2: {  	[dreg:$0x5] =	wrdreg $0x9  }
0xb3: {  	_ =	task.clear_ibuf [dreg:s8], $0x6FFFF;
	_ =	strace $0x90000046  }
0xb4: {  	s29 =	simm.s32 $0x9;
	_ =	strace $0x80000048  }
0xb5: {  	_ =	swait.ge [sflag:s29], $0x1  }
0xb6: {  	[sflag:s29] =	ssyncadd.s32 $0xFFFFFFFF  }
0xb7: {  	_ =	strace $0x90000048  }
0xb8: {  	_ =	sfence  }
0xb9: {  	s30 =	sld [smem:$0x0];
	_ =	sdelay $0x2  }
0xba: {  	s31 =	sshll.u32 s1, $0xD;
	s1 =	sshrl.u32 s1, $0x2  }
0xbb: {  	s3 =	sand.u32 $0x4000, s31;
	s1 =	sadd.s32 s1, s30  }
0xbc: {  	s0 =	sor.u32 s3, s0;
	s1 =	sshll.u32 s1, $0x11  }
0xbd: {  	s0 =	sor.u32 s1, s0  }
0xbe: {  	s0 =	sadd.s32 $0x8F2B, s0  }
0xbf: {  	[sflag:s0] =	ssyncadd.remote.s32 $0x1  }
0xc0: {  	_ =	sfence.sel $0xFFFF  }
0xc1: {  	[dreg:$0x0] =	wrdreg $0xFFFFFFFF;
	(pc) =	sbr.abs _section_cstart, $3  }
0xc2: {  	[dreg:$0x1] =	wrdreg $0xFFFFFFFF  }
0xc3: {  	_ =	task.clear_ibuf [dreg:s8], $0x2FFFF;
	_ =	strace $0x9FFFFFFF  }
0xc4: {  	(tm) =	ssettm $0x7FFFFFFF  }
0xc5: {  	_ =	shalt  }
tec
execute0_lowered:
.L_overlay_start_1:
0x0: {  	(tag) =	ssettag $0x1  }
0x1: {  	s0 =	rddreg [dreg:$0x0]  }
0x2: {  	s4 =	rddreg [dreg:$0x1]  }
0x3: {  	s5 =	rddreg [dreg:$0x2];
	s2 =	srdreg.scid  }
0x4: {  	s1 =	stileid.u32;
	s9 =	simm.s32 $0x880;
	s10 =	simm.s32 $0x1080  }
0x5: {  	s11 =	simm.s32 $0x1880;
	s12 =	simm.s32 $0x2080;
	s13 =	simm.s32 $0x2880  }
0x6: {  	s14 =	simm.s32 $0x3080;
	s15 =	simm.s32 $0x3880;
	s16 =	simm.s32 $0x4080  }
0x7: {  	s17 =	simm.s32 $0x4880;
	s18 =	simm.s32 $0x5080;
	s19 =	simm.s32 $0x5880  }
0x8: {  	s20 =	simm.s32 $0x6080;
	s21 =	simm.s32 $0x6880;
	s22 =	simm.s32 $0x7080  }
0x9: {  	s23 =	simm.s32 $0x7880;
	s24 =	simm.s32 $0x8080;
	s25 =	simm.s32 $0x8880  }
0xa: {  	s28 =	simm.s32 $0x9880;
	s29 =	simm.s32 $0xA080;
	s30 =	simm.s32 $0xA880  }
0xb: {  	s31 =	simm.s32 $0xB080;
	s6 =	sand.u32 $0x1, s2;
	s2 =	simm.s32 $0x0  }
0xc: {  	s3 =	sshll.u32 s1, $0x4;
	s7 =	sshll.u32 s6, $0x3;
	[smem:$0x7FF] =	sst s2  }
0xd: {  	s6 =	ssub.s32 $0x2, s6;
	s7 =	sor.u32 s7, s3;
	_ =	strace $0x80000047  }
0xe: {  	s3 =	sadd.s32 $0xC00, s5;
	s26 =	sshrl.u32 s6, $0x1;
	s8 =	smul.u32 $0x300, s7  }
0xf: {  	s4 =	sadd.s32 s4, s7;
	s6 =	ssub.s32 s6, s26;
	s7 =	simm.s32 $0x1  }
0x10: {  	v2 =	vlaneseq.u32;
	s26 =	simm.s32 $0x9080;
	[dreg:$0x4] =	wrdreg s4;
	s4 =	sadd.s32 $0xD00, s5  }
0x11: {  	vm0 =	vmmov $0xffff;
	v1 =	vshrl.u32 v2, $0x3;
	s5 =	sadd.s32 $0xE00, s5;
	s6 =	smax.u32 s6, $0x1;
	s0 =	sadd.s32 s0, s8  }
0x12: {  	v0 =	vand.u32 $0x7, v2;
	v2 =	vor.u32 $0x8, v2;
	v1 =	vmul.u32 $0x8, v1;
	s8 =	simm.s32 $0x80;
	[dreg:$0x5] =	wrdreg s0;
	s0 =	simm.s32 $0xB880  }
.LBB2_1:
0x13: {  	s1 =	rddreg [dreg:$0x4]  }
0x14: {  	[tilespmem:s2], [sflag:$0x1] =	stream.linear.gather [hbm4b:s1+s2], $0x40, $0x38;
	[tilespmem:$0xC080] =	vst v63  }
0x15: {  	_ =	swait.ge [sflag:s7], $0x40  }
0x16: {  	[sflag:s7] =	ssyncset.done $0x0  }
0x17: {  	s1 =	rddreg [dreg:$0x5];
	[sflag:s7] =	ssyncadd.s32 $0xFFFFFFC0  }
0x18: {  	[tilespmem:s8], [sflag:$0x1] =	stream.linear.gather [hbm4b:s1+s2], $0xC000, $0x38;
	[tilespmem:$0xC080] =	vst v63  }
0x19: {  	_ =	swait.ge [sflag:s7], $0xC000  }
0x1a: {  	[sflag:s7] =	ssyncset.done $0x0  }
0x1b: {  	[sflag:s7] =	ssyncadd.s32 $0xFFFF4000  }
0x1c: {  	v3 =	vld [tilespmem:$0x0];
	_ =	sdelay $0x4  }
0x1d: {  	v4 =	vshrl.u32 v3, $0x3  }
0x1e: {  	v4 =	vmul.u32 $0x30, v4  }
0x1f: {  	v3 =	vand.u32 $0x7, v3  }
0x20: {  	v3 =	vor.u32 v3, v4  }
0x21: {  	v4 =	vperm.xlane v3, v0;
	_ =	sdelay $0x1  }
0x22: {  	v4 =	vadd.s32 v1, v4;
	_ =	sdelay $0x3  }
0x23: {  	v3 =	vperm.xlane v3, v2  }
0x24: {  	[hbm4b:s3+s2] =	stream.indirect_vreg.scatter [tilespmem:s8], [sflag:$0x1], $0x80, v4, vm0, $0xb8;
	[tilespmem:$0xC080] =	vst v63  }
0x25: {  	v3 =	vadd.s32 v1, v3  }
0x26: {  	[hbm4b:s4+s2] =	stream.indirect_vreg.scatter [tilespmem:s9], [sflag:$0x1], $0x80, v4, vm0, $0xb8;
	[tilespmem:$0xC080] =	vst v63  }
0x27: {  	_ = 	snop  }
0x28: {  	[hbm4b:s5+s2] =	stream.indirect_vreg.scatter [tilespmem:s10], [sflag:$0x1], $0x80, v4, vm0, $0xb8;
	[tilespmem:$0xC080] =	vst v63  }
0x29: {  	_ = 	snop  }
0x2a: {  	[hbm4b:s3+s2] =	stream.indirect_vreg.scatter [tilespmem:s11], [sflag:$0x1], $0x80, v3, vm0, $0xb8;
	[tilespmem:$0xC080] =	vst v63  }
0x2b: {  	_ = 	snop  }
0x2c: {  	[hbm4b:s4+s2] =	stream.indirect_vreg.scatter [tilespmem:s12], [sflag:$0x1], $0x80, v3, vm0, $0xb8;
	[tilespmem:$0xC080] =	vst v63  }
0x2d: {  	_ = 	snop  }
0x2e: {  	[hbm4b:s5+s2] =	stream.indirect_vreg.scatter [tilespmem:s13], [sflag:$0x1], $0x80, v3, vm0, $0xb8;
	[tilespmem:$0xC080] =	vst v63  }
0x2f: {  	v3 =	vld [tilespmem:$0x10];
	_ =	sdelay $0x4  }
0x30: {  	v61 =	vshrl.u32 v3, $0x3  }
0x31: {  	v4 =	vmul.u32 $0x30, v61  }
0x32: {  	v3 =	vand.u32 $0x7, v3  }
0x33: {  	v3 =	vor.u32 v3, v4  }
0x34: {  	v4 =	vperm.xlane v3, v0;
	_ =	sdelay $0x1  }
0x35: {  	v4 =	vadd.s32 v1, v4;
	_ =	sdelay $0x3  }
0x36: {  	v3 =	vperm.xlane v3, v2  }
0x37: {  	[hbm4b:s3+s2] =	stream.indirect_vreg.scatter [tilespmem:s14], [sflag:$0x1], $0x80, v4, vm0, $0xb8;
	[tilespmem:$0xC080] =	vst v63  }
0x38: {  	v3 =	vadd.s32 v1, v3  }
0x39: {  	[hbm4b:s4+s2] =	stream.indirect_vreg.scatter [tilespmem:s15], [sflag:$0x1], $0x80, v4, vm0, $0xb8;
	[tilespmem:$0xC080] =	vst v63  }
0x3a: {  	_ = 	snop  }
0x3b: {  	[hbm4b:s5+s2] =	stream.indirect_vreg.scatter [tilespmem:s16], [sflag:$0x1], $0x80, v4, vm0, $0xb8;
	[tilespmem:$0xC080] =	vst v63  }
0x3c: {  	_ = 	snop  }
0x3d: {  	[hbm4b:s3+s2] =	stream.indirect_vreg.scatter [tilespmem:s17], [sflag:$0x1], $0x80, v3, vm0, $0xb8;
	[tilespmem:$0xC080] =	vst v63  }
0x3e: {  	_ = 	snop  }
0x3f: {  	[hbm4b:s4+s2] =	stream.indirect_vreg.scatter [tilespmem:s18], [sflag:$0x1], $0x80, v3, vm0, $0xb8;
	[tilespmem:$0xC080] =	vst v63  }
0x40: {  	_ = 	snop  }
0x41: {  	[hbm4b:s5+s2] =	stream.indirect_vreg.scatter [tilespmem:s19], [sflag:$0x1], $0x80, v3, vm0, $0xb8;
	[tilespmem:$0xC080] =	vst v63  }
0x42: {  	v3 =	vld [tilespmem:$0x20];
	_ =	sdelay $0x4  }
0x43: {  	v62 =	vshrl.u32 v3, $0x3  }
0x44: {  	v4 =	vmul.u32 $0x30, v62  }
0x45: {  	v3 =	vand.u32 $0x7, v3  }
0x46: {  	v3 =	vor.u32 v3, v4  }
0x47: {  	v4 =	vperm.xlane v3, v0;
	_ =	sdelay $0x1  }
0x48: {  	v4 =	vadd.s32 v1, v4;
	_ =	sdelay $0x3  }
0x49: {  	v3 =	vperm.xlane v3, v2  }
0x4a: {  	[hbm4b:s3+s2] =	stream.indirect_vreg.scatter [tilespmem:s20], [sflag:$0x1], $0x80, v4, vm0, $0xb8;
	[tilespmem:$0xC080] =	vst v63  }
0x4b: {  	v3 =	vadd.s32 v1, v3  }
0x4c: {  	[hbm4b:s4+s2] =	stream.indirect_vreg.scatter [tilespmem:s21], [sflag:$0x1], $0x80, v4, vm0, $0xb8;
	[tilespmem:$0xC080] =	vst v63  }
0x4d: {  	_ = 	snop  }
0x4e: {  	[hbm4b:s5+s2] =	stream.indirect_vreg.scatter [tilespmem:s22], [sflag:$0x1], $0x80, v4, vm0, $0xb8;
	[tilespmem:$0xC080] =	vst v63  }
0x4f: {  	_ = 	snop  }
0x50: {  	[hbm4b:s3+s2] =	stream.indirect_vreg.scatter [tilespmem:s23], [sflag:$0x1], $0x80, v3, vm0, $0xb8;
	[tilespmem:$0xC080] =	vst v63  }
0x51: {  	_ = 	snop  }
0x52: {  	[hbm4b:s4+s2] =	stream.indirect_vreg.scatter [tilespmem:s24], [sflag:$0x1], $0x80, v3, vm0, $0xb8;
	[tilespmem:$0xC080] =	vst v63  }
0x53: {  	_ = 	snop  }
0x54: {  	[hbm4b:s5+s2] =	stream.indirect_vreg.scatter [tilespmem:s25], [sflag:$0x1], $0x80, v3, vm0, $0xb8;
	[tilespmem:$0xC080] =	vst v63  }
0x55: {  	v3 =	vld [tilespmem:$0x30];
	_ =	sdelay $0x4  }
0x56: {  	v63 =	vshrl.u32 v3, $0x3  }
0x57: {  	v4 =	vmul.u32 $0x30, v63  }
0x58: {  	v3 =	vand.u32 $0x7, v3  }
0x59: {  	v3 =	vor.u32 v3, v4  }
0x5a: {  	v4 =	vperm.xlane v3, v0;
	_ =	sdelay $0x1  }
0x5b: {  	v4 =	vadd.s32 v1, v4;
	_ =	sdelay $0x3  }
0x5c: {  	v3 =	vperm.xlane v3, v2  }
0x5d: {  	[hbm4b:s3+s2] =	stream.indirect_vreg.scatter [tilespmem:s26], [sflag:$0x1], $0x80, v4, vm0, $0xb8;
	[tilespmem:$0xC080] =	vst v63  }
0x5e: {  	v3 =	vadd.s32 v1, v3  }
0x5f: {  	[hbm4b:s4+s2] =	stream.indirect_vreg.scatter [tilespmem:s28], [sflag:$0x1], $0x80, v4, vm0, $0xb8;
	[tilespmem:$0xC080] =	vst v63  }
0x60: {  	_ = 	snop  }
0x61: {  	[hbm4b:s5+s2] =	stream.indirect_vreg.scatter [tilespmem:s29], [sflag:$0x1], $0x80, v4, vm0, $0xb8;
	[tilespmem:$0xC080] =	vst v63  }
0x62: {  	_ = 	snop  }
0x63: {  	[hbm4b:s3+s2] =	stream.indirect_vreg.scatter [tilespmem:s30], [sflag:$0x1], $0x80, v3, vm0, $0xb8;
	[tilespmem:$0xC080] =	vst v63  }
0x64: {  	p0 =	sne.s32 s6, $0x1  }
0x65: {  	[hbm4b:s4+s2] =	stream.indirect_vreg.scatter [tilespmem:s31], [sflag:$0x1], $0x80, v3, vm0, $0xb8;
	[tilespmem:$0xC080] =	vst v63  }
.Ltmp0:
0x66: {  	_ = 	snop;
	(pc) =	sbr.rel @p0 .LBB2_1-.Ltmp0, $4  }
0x67: {  	[hbm4b:s5+s2] =	stream.indirect_vreg.scatter [tilespmem:s0], [sflag:$0x1], $0x80, v3, vm0, $0xb8;
	[tilespmem:$0xC080] =	vst v63  }
0x68: {  	_ =	swait.ge [sflag:s7], $0xC000  }
0x69: {  	[sflag:s7] =	ssyncset.done $0x0  }
0x6a: {  	s6 =	sadd.s32 $0xFFFFFFFF, s6;
	[sflag:s7] =	ssyncadd.s32 $0xFFFF4000  }
0x6b: {  	_ =	sfence.sel $0x180000  }
0x6c: {  	[bflag:$0x0] =	sbarrier.arrive $0xFFFF  }
0x6d: {  	_ =	strace $0x90000047  }
0x6e: {  	s0 =	stileid.u32;
	[bflag:$0x2] =	sbarrier.arrive $0xFFFF  }
0x6f: {  	p0 =	sne.s32 s0, $0x0;
	s0 =	rddreg [dreg:$0x3]  }
0x70: {  	s0 =	sadd.s32 @!p0 $0x100000, s0  }
0x71: {  	[sflag:s0] =	ssyncadd.tile.s32 @!p0 $0x1;
	_ =	shalt  }
.Lfunc_end2:
_tile_overlayer_lowered:
.L_overlay_start_2:
0x72: {  	(tag) =	ssettag $0x2  }
0x73: {  	s0 =	rddreg [dreg:$0x0];
	s2 =	stileid.u32  }
0x74: {  	s1 =	rddreg [dreg:$0x1];
	p0 =	sne.s32 s2, $0x0  }
0x75: {  	s3 =	rddreg [dreg:$0x2];
	[bflag:$0x3] =	sbarrier.arrive $0xFFFF;
	s2 =	simm.s32 @!p0 $0x1C01  }
0x76: {  	[timem:s3], [sflag:s2] =	dma.local @!p0 [hbm:s0], s1  }
0x77: {  	s0 =	simm.s32 @!p0 $0x1  }
0x78: {  	_ =	swait.ge @!p0 [sflag:s0], s1  }
0x79: {  	s1 =	ssub.s32 @!p0 $0x0, s1;
	[sflag:s0] =	ssyncset.done @!p0 $0x0  }
0x7a: {  	[sflag:s0] =	ssyncadd.s32 @!p0 s1  }
0x7b: {  	[bflag:$0x3] =	sbarrier.arrive $0xFFFF  }
0x7c: {  	_ =	shalt  }

</sc_bundles>
